<compile_context>
chip_gen: v7x
topology: tpu7x:2x2x1
jax: 0.10.2.dev20260603
libtpu: 0.0.44.dev20260713+nightly
codegen_flags: <defaults>
</compile_context>

<pallas_src>
import functools

import jax
import jax.numpy as jnp
from jax import lax
from jax.experimental import pallas as pl
from jax.experimental.pallas import tpu as pltpu
from jax.experimental.pallas import tpu_sc as plsc

MR_LAMBDA = 100.0
LABEL_SMOOTHING = 0.1
ECR_WARMUP_ITERATIONS = 1000.0
ITERATIONS = 0.0
KNN = 10
B, C, D = 512, 256, 128

_LANES = 16
_NC, _NS = 2, 16
_NW = _NC * _NS
_ROWS_PER_W = B // _NW
_CHUNKS = B // _LANES


def _tc_dense_body(sl_ref, tc_ref, tl_ref, f_ref,
                   sup_ref, pseudo_ref, sq_ref, prod_ref):
    sl = sl_ref[:, :]

    m = jnp.max(sl, axis=1, keepdims=True)
    sh = sl - m
    es = jnp.exp(sh)
    se = jnp.sum(es, axis=1, keepdims=True)
    logp = sh - jnp.log(se)
    cols_c = jax.lax.broadcasted_iota(jnp.int32, (B, C), 1)
    onehot = cols_c == tc_ref[:, :]
    nll = -jnp.sum(jnp.where(onehot, logp, 0.0), axis=1)
    smooth = -jnp.sum(logp, axis=1) * (1.0 / C)
    per_ex = (1.0 - LABEL_SMOOTHING) * nll + LABEL_SMOOTHING * smooth
    sup_ref[:] = (jnp.sum(per_ex) * (1.0 / B)).reshape(1)
    pseudo_ref[:] = jnp.zeros((1,), jnp.float32)

    f = f_ref[:, :]
    gram = jnp.dot(f, f.T, preferred_element_type=jnp.float32)
    rn = jnp.sum(f * f, axis=1)
    sq = jnp.maximum(rn[:, None] + rn[None, :] - 2.0 * gram, 0.0)
    sq_ref[:, :] = sq
    sims = 1.0 / (1.0 + jnp.sqrt(sq))

    ps = es * (1.0 / se)
    tl = tl_ref[:, :]
    mt = jnp.max(tl, axis=1, keepdims=True)
    et = jnp.exp(tl - mt)
    pt = et * (1.0 / jnp.sum(et, axis=1, keepdims=True))
    cross = jnp.dot(ps, pt.T, preferred_element_type=jnp.float32)
    pns = jnp.sum(ps * ps, axis=1)
    pnt = jnp.sum(pt * pt, axis=1)
    mse = (pns[:, None] + pnt[None, :] - 2.0 * cross) * (1.0 / C)
    prod_ref[:, :] = sims * mse


def _sc_topk_body(sq_hbm, prod_hbm, out_hbm, sq_v, prod_v, acc_v, sem):
    cid = lax.axis_index("c")
    sid = lax.axis_index("s")
    wid = sid * _NC + cid
    base = wid * _ROWS_PER_W
    pltpu.sync_copy(sq_hbm.at[pl.ds(base, _ROWS_PER_W)], sq_v)
    pltpu.sync_copy(prod_hbm.at[pl.ds(base, _ROWS_PER_W)], prod_v)

    keep = lax.iota(jnp.int32, _LANES) < KNN

    init = []
    for r in range(_ROWS_PER_W):
        init.extend(plsc.sort_key_val(sq_v[r, pl.ds(0, _LANES)],
                                      prod_v[r, pl.ds(0, _LANES)]))

    def merge_all(c, carry):
        out = []
        for r in range(_ROWS_PER_W):
            ms, mp = carry[2 * r], carry[2 * r + 1]
            ns, np_ = plsc.sort_key_val(sq_v[r, pl.ds(c * _LANES, _LANES)],
                                        prod_v[r, pl.ds(c * _LANES, _LANES)])
            rs = lax.rev(ns, (0,))
            rp = lax.rev(np_, (0,))
            take = ms <= rs
            ks = jnp.where(take, ms, rs)
            kp = jnp.where(take, mp, rp)
            out.extend(plsc.sort_key_val(ks, kp))
        return tuple(out)

    fin = lax.fori_loop(1, _CHUNKS, merge_all, tuple(init))
    acc = jnp.zeros((_LANES,), jnp.float32)
    for r in range(_ROWS_PER_W):
        acc = acc + jnp.where(keep, fin[2 * r + 1], 0.0)
    acc_v[...] = acc
    pltpu.sync_copy(acc_v, out_hbm.at[wid])


_sc_topk = functools.partial(
    pl.kernel,
    out_type=jax.ShapeDtypeStruct((_NW, _LANES), jnp.float32),
    mesh=plsc.VectorSubcoreMesh(core_axis_name="c", subcore_axis_name="s"),
    scratch_types=[
        pltpu.VMEM((_ROWS_PER_W, B), jnp.float32),
        pltpu.VMEM((_ROWS_PER_W, B), jnp.float32),
        pltpu.VMEM((_LANES,), jnp.float32),
        pltpu.SemaphoreType.DMA,
    ],
    compiler_params=pltpu.CompilerParams(needs_layout_passes=False),
)(_sc_topk_body)


def kernel(student_logits, targ_class, teacher_logits, features):
    targ2d = targ_class.reshape(B, 1)
    sup, pseudo, sq, prod = pl.pallas_call(
        _tc_dense_body,
        out_shape=(
            jax.ShapeDtypeStruct((1,), jnp.float32),
            jax.ShapeDtypeStruct((1,), jnp.float32),
            jax.ShapeDtypeStruct((B, B), jnp.float32),
            jax.ShapeDtypeStruct((B, B), jnp.float32),
        ),
    )(student_logits, targ2d, teacher_logits, features)
    partials = _sc_topk(sq, prod)
    rampup = min(1.0, ITERATIONS / ECR_WARMUP_ITERATIONS)
    cons = jnp.sum(partials) * (1.0 / (B * KNN))
    cons_loss = ((MR_LAMBDA * rampup) * cons).reshape(1)
    return (sup, cons_loss, pseudo)

# --- scband reference (transcript-rebuilt; emitter-appended) ---
"""Pipeline reference for scband-spmtloss-84550726189541 (READ-ONLY COPY).

The authoritative reference and input builder live on the scoring server;
editing this copy changes nothing except your own understanding.
"""

import jax, jax.numpy as jnp
import numpy as np

MR_LAMBDA = 100.0
LABEL_SMOOTHING = 0.1
ECR_WARMUP_ITERATIONS = 1000.0
ITERATIONS = 0.0  # module starts with self.iterations = 0.0
KNN = 10
B, C, D = 512, 256, 128


def setup_inputs(seed: int = 0) -> dict:
    key = jax.random.key(seed)
    k1, k2, k3, k4 = jax.random.split(key, 4)
    student_logits = jax.random.normal(k1, (B, C), dtype=jnp.float32)
    targ_class = jax.random.randint(k2, (B,), 0, C, dtype=jnp.int32)
    teacher_logits = jax.random.normal(k3, (B, C), dtype=jnp.float32)
    features = jax.random.normal(k4, (B, D), dtype=jnp.float32)
    return {
        "student_logits": student_logits,
        "targ_class": targ_class,
        "teacher_logits": teacher_logits,
        "features": features,
    }


def _cross_entropy_ls(logits, targets):
    # torch CrossEntropyLoss(reduction='mean', ignore_index=-1, label_smoothing=eps)
    logp = jax.nn.log_softmax(logits, axis=-1)
    valid = targets != -1
    safe_t = jnp.where(valid, targets, 0)
    nll = -jnp.take_along_axis(logp, safe_t[:, None], axis=1)[:, 0]
    smooth = -jnp.mean(logp, axis=-1)
    per_ex = (1.0 - LABEL_SMOOTHING) * nll + LABEL_SMOOTHING * smooth
    denom = jnp.maximum(jnp.sum(valid.astype(jnp.float32)), 1.0)
    return jnp.sum(jnp.where(valid, per_ex, 0.0)) / denom


def _manifold_regularization(student_logits, teacher_logits, features):
    diff = features[:, None, :] - features[None, :, :] + 1e-08
    sims = jnp.linalg.norm(diff, axis=-1)
    sims = 1.0 / (1.0 + sims)
    ps = jax.nn.softmax(student_logits, axis=-1)
    pt = jax.nn.softmax(teacher_logits, axis=-1)
    mse = jnp.mean((ps[:, None, :] - pt[None, :, :]) ** 2, axis=-1)
    _, k_nearest = jax.lax.top_k(sims, KNN)
    g_sims = jnp.take_along_axis(sims, k_nearest, axis=1)
    g_mse = jnp.take_along_axis(mse, k_nearest, axis=1)
    cons = jnp.mean(g_sims * g_mse)
    rampup = min(1.0, ITERATIONS / ECR_WARMUP_ITERATIONS)
    return MR_LAMBDA * rampup * cons


def reference(student_logits, targ_class, teacher_logits, features):
    supervised_loss = jnp.array([0.0], dtype=jnp.float32) + _cross_entropy_ls(student_logits, targ_class)
    cons_loss = jnp.array([0.0], dtype=jnp.float32) + _manifold_regularization(student_logits, teacher_logits, features)
    pseudo_loss = jnp.array([0.0], dtype=jnp.float32)  # cfg.cpl = False
    return (supervised_loss, cons_loss, pseudo_loss)

if __name__ == "__main__":
    import jax
    _d = setup_inputs()
    print(jax.jit(kernel)(*tuple(_d.values())))

</pallas_src>

<mosaic_0001>
#map = affine_map<(d0, d1) -> (0, 0)>
module attributes {stable_mosaic.version = 14 : i64} {
  func.func @_sc_topk_body(%arg0: i32, %arg1: i32, %arg2: memref<512x512xf32, #tpu.memory_space<hbm>>, %arg3: memref<512x512xf32, #tpu.memory_space<hbm>>, %arg4: memref<32x16xf32, #tpu.memory_space<hbm>>, %arg5: memref<16x512xf32, #tpu.memory_space<vmem>>, %arg6: memref<16x512xf32, #tpu.memory_space<vmem>>, %arg7: memref<16xf32, #tpu.memory_space<vmem>>, %arg8: memref<!tpu.dma_semaphore, #tpu.memory_space<semaphore_mem>>) attributes {dimension_semantics = [#tpu.dimension_semantics<core_parallel>, #tpu.dimension_semantics<subcore_parallel>], iteration_bounds = array<i64: 2, 16>, scalar_prefetch = 0 : i64, scratch_operands = 4 : i64, tpu.core_type = #tpu.core_type<sc_vector_subcore>, window_params = [{transform_indices = #map}, {transform_indices = #map}, {transform_indices = #map}]} {
    %mul3A = arith.constant 2 : i32
    %mul3A_0 = arith.muli %arg1, %mul3A : i32
    %add3A = arith.addi %mul3A_0, %arg0 : i32
    %mul3A_1 = arith.constant 16 : i32
    %mul3A_2 = arith.muli %add3A, %mul3A_1 : i32
    "tpu.region"() ({
      %run_scoped3A = tpu.sem_alloc : memref<!tpu.dma_semaphore, #tpu.memory_space<semaphore_mem>>
      %dma_start3A = arith.constant 0 : i32
      %dma_start3A_264 = tpu.memref_slice %arg2[%mul3A_2, %dma_start3A] : memref<512x512xf32, #tpu.memory_space<hbm>> -> memref<16x512xf32, #tpu.memory_space<hbm>>
      %dma_start3A_265 = arith.constant 0 : i32
      %dma_start3A_266 = tpu.memref_slice %arg2[%mul3A_2, %dma_start3A_265] : memref<512x512xf32, #tpu.memory_space<hbm>> -> memref<16x512xf32, #tpu.memory_space<hbm>>
      tpu.enqueue_dma source(%dma_start3A_266 : memref<16x512xf32, #tpu.memory_space<hbm>>) target(%arg5 : memref<16x512xf32, #tpu.memory_space<vmem>>) target_semaphore(%run_scoped3A : memref<!tpu.dma_semaphore, #tpu.memory_space<semaphore_mem>>)
      %dma_wait3A = arith.constant 0 : i32
      %dma_wait3A_267 = tpu.memref_slice %arg2[%mul3A_2, %dma_wait3A] : memref<512x512xf32, #tpu.memory_space<hbm>> -> memref<16x512xf32, #tpu.memory_space<hbm>>
      %dma_wait3A_268 = arith.constant 0 : i32
      %dma_wait3A_269 = tpu.memref_slice %arg2[%mul3A_2, %dma_wait3A_268] : memref<512x512xf32, #tpu.memory_space<hbm>> -> memref<16x512xf32, #tpu.memory_space<hbm>>
      tpu.wait_dma2 semaphore(%run_scoped3A : memref<!tpu.dma_semaphore, #tpu.memory_space<semaphore_mem>>) src(%dma_wait3A_269 : memref<16x512xf32, #tpu.memory_space<hbm>>) dst(%arg5 : memref<16x512xf32, #tpu.memory_space<vmem>>)
      tpu.yield
    }) : () -> ()
    "tpu.region"() ({
      %run_scoped3A = tpu.sem_alloc : memref<!tpu.dma_semaphore, #tpu.memory_space<semaphore_mem>>
      %dma_start3A = arith.constant 0 : i32
      %dma_start3A_264 = tpu.memref_slice %arg3[%mul3A_2, %dma_start3A] : memref<512x512xf32, #tpu.memory_space<hbm>> -> memref<16x512xf32, #tpu.memory_space<hbm>>
      %dma_start3A_265 = arith.constant 0 : i32
      %dma_start3A_266 = tpu.memref_slice %arg3[%mul3A_2, %dma_start3A_265] : memref<512x512xf32, #tpu.memory_space<hbm>> -> memref<16x512xf32, #tpu.memory_space<hbm>>
      tpu.enqueue_dma source(%dma_start3A_266 : memref<16x512xf32, #tpu.memory_space<hbm>>) target(%arg6 : memref<16x512xf32, #tpu.memory_space<vmem>>) target_semaphore(%run_scoped3A : memref<!tpu.dma_semaphore, #tpu.memory_space<semaphore_mem>>)
      %dma_wait3A = arith.constant 0 : i32
      %dma_wait3A_267 = tpu.memref_slice %arg3[%mul3A_2, %dma_wait3A] : memref<512x512xf32, #tpu.memory_space<hbm>> -> memref<16x512xf32, #tpu.memory_space<hbm>>
      %dma_wait3A_268 = arith.constant 0 : i32
      %dma_wait3A_269 = tpu.memref_slice %arg3[%mul3A_2, %dma_wait3A_268] : memref<512x512xf32, #tpu.memory_space<hbm>> -> memref<16x512xf32, #tpu.memory_space<hbm>>
      tpu.wait_dma2 semaphore(%run_scoped3A : memref<!tpu.dma_semaphore, #tpu.memory_space<semaphore_mem>>) src(%dma_wait3A_269 : memref<16x512xf32, #tpu.memory_space<hbm>>) dst(%arg6 : memref<16x512xf32, #tpu.memory_space<vmem>>)
      tpu.yield
    }) : () -> ()
    %iota3A = tpu.iota {dimensions = array<i32: 0>} : vector<16xi32>
    %lt3A = arith.constant 10 : i32
    %lt3A_3 = vector.broadcast %lt3A : i32 to vector<16xi32>
    %lt3A_4 = arith.cmpi slt, %iota3A, %lt3A_3 : vector<16xi32>
    %get3A = arith.constant 0 : i32
    %get3A_5 = arith.index_cast %get3A : i32 to index
    %get3A_6 = arith.constant 0 : index
    %get3A_7 = tpu.vector_load %arg5[%get3A_5, %get3A_6] {strides = array<i32>} : memref<16x512xf32, #tpu.memory_space<vmem>>, vector<16xf32>,
    %get3A_8 = arith.constant 0 : i32
    %get3A_9 = arith.index_cast %get3A_8 : i32 to index
    %get3A_10 = arith.constant 0 : index
    %get3A_11 = tpu.vector_load %arg6[%get3A_9, %get3A_10] {strides = array<i32>} : memref<16x512xf32, #tpu.memory_space<vmem>>, vector<16xf32>,
    %masked_sort3A = arith.constant dense<true> : vector<16xi1>
    %masked_sort3A_12, %masked_sort3A_13, %masked_sort3A_14 = tpu.sort %get3A_7, %get3A_11 masked %masked_sort3A : (vector<16xf32>, vector<16xf32>, vector<16xi1>) -> (vector<16xi1>, vector<16xf32>, vector<16xf32>)
    %get3A_15 = arith.constant 1 : i32
    %get3A_16 = arith.index_cast %get3A_15 : i32 to index
    %get3A_17 = arith.constant 0 : index
    %get3A_18 = tpu.vector_load %arg5[%get3A_16, %get3A_17] {strides = array<i32>} : memref<16x512xf32, #tpu.memory_space<vmem>>, vector<16xf32>,
    %get3A_19 = arith.constant 1 : i32
    %get3A_20 = arith.index_cast %get3A_19 : i32 to index
    %get3A_21 = arith.constant 0 : index
    %get3A_22 = tpu.vector_load %arg6[%get3A_20, %get3A_21] {strides = array<i32>} : memref<16x512xf32, #tpu.memory_space<vmem>>, vector<16xf32>,
    %masked_sort3A_23 = arith.constant dense<true> : vector<16xi1>
    %masked_sort3A_24, %masked_sort3A_25, %masked_sort3A_26 = tpu.sort %get3A_18, %get3A_22 masked %masked_sort3A_23 : (vector<16xf32>, vector<16xf32>, vector<16xi1>) -> (vector<16xi1>, vector<16xf32>, vector<16xf32>)
    %get3A_27 = arith.constant 2 : i32
    %get3A_28 = arith.index_cast %get3A_27 : i32 to index
    %get3A_29 = arith.constant 0 : index
    %get3A_30 = tpu.vector_load %arg5[%get3A_28, %get3A_29] {strides = array<i32>} : memref<16x512xf32, #tpu.memory_space<vmem>>, vector<16xf32>,
    %get3A_31 = arith.constant 2 : i32
    %get3A_32 = arith.index_cast %get3A_31 : i32 to index
    %get3A_33 = arith.constant 0 : index
    %get3A_34 = tpu.vector_load %arg6[%get3A_32, %get3A_33] {strides = array<i32>} : memref<16x512xf32, #tpu.memory_space<vmem>>, vector<16xf32>,
    %masked_sort3A_35 = arith.constant dense<true> : vector<16xi1>
    %masked_sort3A_36, %masked_sort3A_37, %masked_sort3A_38 = tpu.sort %get3A_30, %get3A_34 masked %masked_sort3A_35 : (vector<16xf32>, vector<16xf32>, vector<16xi1>) -> (vector<16xi1>, vector<16xf32>, vector<16xf32>)
    %get3A_39 = arith.constant 3 : i32
    %get3A_40 = arith.index_cast %get3A_39 : i32 to index
    %get3A_41 = arith.constant 0 : index
    %get3A_42 = tpu.vector_load %arg5[%get3A_40, %get3A_41] {strides = array<i32>} : memref<16x512xf32, #tpu.memory_space<vmem>>, vector<16xf32>,
    %get3A_43 = arith.constant 3 : i32
    %get3A_44 = arith.index_cast %get3A_43 : i32 to index
    %get3A_45 = arith.constant 0 : index
    %get3A_46 = tpu.vector_load %arg6[%get3A_44, %get3A_45] {strides = array<i32>} : memref<16x512xf32, #tpu.memory_space<vmem>>, vector<16xf32>,
    %masked_sort3A_47 = arith.constant dense<true> : vector<16xi1>
    %masked_sort3A_48, %masked_sort3A_49, %masked_sort3A_50 = tpu.sort %get3A_42, %get3A_46 masked %masked_sort3A_47 : (vector<16xf32>, vector<16xf32>, vector<16xi1>) -> (vector<16xi1>, vector<16xf32>, vector<16xf32>)
    %get3A_51 = arith.constant 4 : i32
    %get3A_52 = arith.index_cast %get3A_51 : i32 to index
    %get3A_53 = arith.constant 0 : index
    %get3A_54 = tpu.vector_load %arg5[%get3A_52, %get3A_53] {strides = array<i32>} : memref<16x512xf32, #tpu.memory_space<vmem>>, vector<16xf32>,
    %get3A_55 = arith.constant 4 : i32
    %get3A_56 = arith.index_cast %get3A_55 : i32 to index
    %get3A_57 = arith.constant 0 : index
    %get3A_58 = tpu.vector_load %arg6[%get3A_56, %get3A_57] {strides = array<i32>} : memref<16x512xf32, #tpu.memory_space<vmem>>, vector<16xf32>,
    %masked_sort3A_59 = arith.constant dense<true> : vector<16xi1>
    %masked_sort3A_60, %masked_sort3A_61, %masked_sort3A_62 = tpu.sort %get3A_54, %get3A_58 masked %masked_sort3A_59 : (vector<16xf32>, vector<16xf32>, vector<16xi1>) -> (vector<16xi1>, vector<16xf32>, vector<16xf32>)
    %get3A_63 = arith.constant 5 : i32
    %get3A_64 = arith.index_cast %get3A_63 : i32 to index
    %get3A_65 = arith.constant 0 : index
    %get3A_66 = tpu.vector_load %arg5[%get3A_64, %get3A_65] {strides = array<i32>} : memref<16x512xf32, #tpu.memory_space<vmem>>, vector<16xf32>,
    %get3A_67 = arith.constant 5 : i32
    %get3A_68 = arith.index_cast %get3A_67 : i32 to index
    %get3A_69 = arith.constant 0 : index
    %get3A_70 = tpu.vector_load %arg6[%get3A_68, %get3A_69] {strides = array<i32>} : memref<16x512xf32, #tpu.memory_space<vmem>>, vector<16xf32>,
    %masked_sort3A_71 = arith.constant dense<true> : vector<16xi1>
    %masked_sort3A_72, %masked_sort3A_73, %masked_sort3A_74 = tpu.sort %get3A_66, %get3A_70 masked %masked_sort3A_71 : (vector<16xf32>, vector<16xf32>, vector<16xi1>) -> (vector<16xi1>, vector<16xf32>, vector<16xf32>)
    %get3A_75 = arith.constant 6 : i32
    %get3A_76 = arith.index_cast %get3A_75 : i32 to index
    %get3A_77 = arith.constant 0 : index
    %get3A_78 = tpu.vector_load %arg5[%get3A_76, %get3A_77] {strides = array<i32>} : memref<16x512xf32, #tpu.memory_space<vmem>>, vector<16xf32>,
    %get3A_79 = arith.constant 6 : i32
    %get3A_80 = arith.index_cast %get3A_79 : i32 to index
    %get3A_81 = arith.constant 0 : index
    %get3A_82 = tpu.vector_load %arg6[%get3A_80, %get3A_81] {strides = array<i32>} : memref<16x512xf32, #tpu.memory_space<vmem>>, vector<16xf32>,
    %masked_sort3A_83 = arith.constant dense<true> : vector<16xi1>
    %masked_sort3A_84, %masked_sort3A_85, %masked_sort3A_86 = tpu.sort %get3A_78, %get3A_82 masked %masked_sort3A_83 : (vector<16xf32>, vector<16xf32>, vector<16xi1>) -> (vector<16xi1>, vector<16xf32>, vector<16xf32>)
    %get3A_87 = arith.constant 7 : i32
    %get3A_88 = arith.index_cast %get3A_87 : i32 to index
    %get3A_89 = arith.constant 0 : index
    %get3A_90 = tpu.vector_load %arg5[%get3A_88, %get3A_89] {strides = array<i32>} : memref<16x512xf32, #tpu.memory_space<vmem>>, vector<16xf32>,
    %get3A_91 = arith.constant 7 : i32
    %get3A_92 = arith.index_cast %get3A_91 : i32 to index
    %get3A_93 = arith.constant 0 : index
    %get3A_94 = tpu.vector_load %arg6[%get3A_92, %get3A_93] {strides = array<i32>} : memref<16x512xf32, #tpu.memory_space<vmem>>, vector<16xf32>,
    %masked_sort3A_95 = arith.constant dense<true> : vector<16xi1>
    %masked_sort3A_96, %masked_sort3A_97, %masked_sort3A_98 = tpu.sort %get3A_90, %get3A_94 masked %masked_sort3A_95 : (vector<16xf32>, vector<16xf32>, vector<16xi1>) -> (vector<16xi1>, vector<16xf32>, vector<16xf32>)
    %get3A_99 = arith.constant 8 : i32
    %get3A_100 = arith.index_cast %get3A_99 : i32 to index
    %get3A_101 = arith.constant 0 : index
    %get3A_102 = tpu.vector_load %arg5[%get3A_100, %get3A_101] {strides = array<i32>} : memref<16x512xf32, #tpu.memory_space<vmem>>, vector<16xf32>,
    %get3A_103 = arith.constant 8 : i32
    %get3A_104 = arith.index_cast %get3A_103 : i32 to index
    %get3A_105 = arith.constant 0 : index
    %get3A_106 = tpu.vector_load %arg6[%get3A_104, %get3A_105] {strides = array<i32>} : memref<16x512xf32, #tpu.memory_space<vmem>>, vector<16xf32>,
    %masked_sort3A_107 = arith.constant dense<true> : vector<16xi1>
    %masked_sort3A_108, %masked_sort3A_109, %masked_sort3A_110 = tpu.sort %get3A_102, %get3A_106 masked %masked_sort3A_107 : (vector<16xf32>, vector<16xf32>, vector<16xi1>) -> (vector<16xi1>, vector<16xf32>, vector<16xf32>)
    %get3A_111 = arith.constant 9 : i32
    %get3A_112 = arith.index_cast %get3A_111 : i32 to index
    %get3A_113 = arith.constant 0 : index
    %get3A_114 = tpu.vector_load %arg5[%get3A_112, %get3A_113] {strides = array<i32>} : memref<16x512xf32, #tpu.memory_space<vmem>>, vector<16xf32>,
    %get3A_115 = arith.constant 9 : i32
    %get3A_116 = arith.index_cast %get3A_115 : i32 to index
    %get3A_117 = arith.constant 0 : index
    %get3A_118 = tpu.vector_load %arg6[%get3A_116, %get3A_117] {strides = array<i32>} : memref<16x512xf32, #tpu.memory_space<vmem>>, vector<16xf32>,
    %masked_sort3A_119 = arith.constant dense<true> : vector<16xi1>
    %masked_sort3A_120, %masked_sort3A_121, %masked_sort3A_122 = tpu.sort %get3A_114, %get3A_118 masked %masked_sort3A_119 : (vector<16xf32>, vector<16xf32>, vector<16xi1>) -> (vector<16xi1>, vector<16xf32>, vector<16xf32>)
    %get3A_123 = arith.constant 10 : i32
    %get3A_124 = arith.index_cast %get3A_123 : i32 to index
    %get3A_125 = arith.constant 0 : index
    %get3A_126 = tpu.vector_load %arg5[%get3A_124, %get3A_125] {strides = array<i32>} : memref<16x512xf32, #tpu.memory_space<vmem>>, vector<16xf32>,
    %get3A_127 = arith.constant 10 : i32
    %get3A_128 = arith.index_cast %get3A_127 : i32 to index
    %get3A_129 = arith.constant 0 : index
    %get3A_130 = tpu.vector_load %arg6[%get3A_128, %get3A_129] {strides = array<i32>} : memref<16x512xf32, #tpu.memory_space<vmem>>, vector<16xf32>,
    %masked_sort3A_131 = arith.constant dense<true> : vector<16xi1>
    %masked_sort3A_132, %masked_sort3A_133, %masked_sort3A_134 = tpu.sort %get3A_126, %get3A_130 masked %masked_sort3A_131 : (vector<16xf32>, vector<16xf32>, vector<16xi1>) -> (vector<16xi1>, vector<16xf32>, vector<16xf32>)
    %get3A_135 = arith.constant 11 : i32
    %get3A_136 = arith.index_cast %get3A_135 : i32 to index
    %get3A_137 = arith.constant 0 : index
    %get3A_138 = tpu.vector_load %arg5[%get3A_136, %get3A_137] {strides = array<i32>} : memref<16x512xf32, #tpu.memory_space<vmem>>, vector<16xf32>,
    %get3A_139 = arith.constant 11 : i32
    %get3A_140 = arith.index_cast %get3A_139 : i32 to index
    %get3A_141 = arith.constant 0 : index
    %get3A_142 = tpu.vector_load %arg6[%get3A_140, %get3A_141] {strides = array<i32>} : memref<16x512xf32, #tpu.memory_space<vmem>>, vector<16xf32>,
    %masked_sort3A_143 = arith.constant dense<true> : vector<16xi1>
    %masked_sort3A_144, %masked_sort3A_145, %masked_sort3A_146 = tpu.sort %get3A_138, %get3A_142 masked %masked_sort3A_143 : (vector<16xf32>, vector<16xf32>, vector<16xi1>) -> (vector<16xi1>, vector<16xf32>, vector<16xf32>)
    %get3A_147 = arith.constant 12 : i32
    %get3A_148 = arith.index_cast %get3A_147 : i32 to index
    %get3A_149 = arith.constant 0 : index
    %get3A_150 = tpu.vector_load %arg5[%get3A_148, %get3A_149] {strides = array<i32>} : memref<16x512xf32, #tpu.memory_space<vmem>>, vector<16xf32>,
    %get3A_151 = arith.constant 12 : i32
    %get3A_152 = arith.index_cast %get3A_151 : i32 to index
    %get3A_153 = arith.constant 0 : index
    %get3A_154 = tpu.vector_load %arg6[%get3A_152, %get3A_153] {strides = array<i32>} : memref<16x512xf32, #tpu.memory_space<vmem>>, vector<16xf32>,
    %masked_sort3A_155 = arith.constant dense<true> : vector<16xi1>
    %masked_sort3A_156, %masked_sort3A_157, %masked_sort3A_158 = tpu.sort %get3A_150, %get3A_154 masked %masked_sort3A_155 : (vector<16xf32>, vector<16xf32>, vector<16xi1>) -> (vector<16xi1>, vector<16xf32>, vector<16xf32>)
    %get3A_159 = arith.constant 13 : i32
    %get3A_160 = arith.index_cast %get3A_159 : i32 to index
    %get3A_161 = arith.constant 0 : index
    %get3A_162 = tpu.vector_load %arg5[%get3A_160, %get3A_161] {strides = array<i32>} : memref<16x512xf32, #tpu.memory_space<vmem>>, vector<16xf32>,
    %get3A_163 = arith.constant 13 : i32
    %get3A_164 = arith.index_cast %get3A_163 : i32 to index
    %get3A_165 = arith.constant 0 : index
    %get3A_166 = tpu.vector_load %arg6[%get3A_164, %get3A_165] {strides = array<i32>} : memref<16x512xf32, #tpu.memory_space<vmem>>, vector<16xf32>,
    %masked_sort3A_167 = arith.constant dense<true> : vector<16xi1>
    %masked_sort3A_168, %masked_sort3A_169, %masked_sort3A_170 = tpu.sort %get3A_162, %get3A_166 masked %masked_sort3A_167 : (vector<16xf32>, vector<16xf32>, vector<16xi1>) -> (vector<16xi1>, vector<16xf32>, vector<16xf32>)
    %get3A_171 = arith.constant 14 : i32
    %get3A_172 = arith.index_cast %get3A_171 : i32 to index
    %get3A_173 = arith.constant 0 : index
    %get3A_174 = tpu.vector_load %arg5[%get3A_172, %get3A_173] {strides = array<i32>} : memref<16x512xf32, #tpu.memory_space<vmem>>, vector<16xf32>,
    %get3A_175 = arith.constant 14 : i32
    %get3A_176 = arith.index_cast %get3A_175 : i32 to index
    %get3A_177 = arith.constant 0 : index
    %get3A_178 = tpu.vector_load %arg6[%get3A_176, %get3A_177] {strides = array<i32>} : memref<16x512xf32, #tpu.memory_space<vmem>>, vector<16xf32>,
    %masked_sort3A_179 = arith.constant dense<true> : vector<16xi1>
    %masked_sort3A_180, %masked_sort3A_181, %masked_sort3A_182 = tpu.sort %get3A_174, %get3A_178 masked %masked_sort3A_179 : (vector<16xf32>, vector<16xf32>, vector<16xi1>) -> (vector<16xi1>, vector<16xf32>, vector<16xf32>)
    %get3A_183 = arith.constant 15 : i32
    %get3A_184 = arith.index_cast %get3A_183 : i32 to index
    %get3A_185 = arith.constant 0 : index
    %get3A_186 = tpu.vector_load %arg5[%get3A_184, %get3A_185] {strides = array<i32>} : memref<16x512xf32, #tpu.memory_space<vmem>>, vector<16xf32>,
    %get3A_187 = arith.constant 15 : i32
    %get3A_188 = arith.index_cast %get3A_187 : i32 to index
    %get3A_189 = arith.constant 0 : index
    %get3A_190 = tpu.vector_load %arg6[%get3A_188, %get3A_189] {strides = array<i32>} : memref<16x512xf32, #tpu.memory_space<vmem>>, vector<16xf32>,
    %masked_sort3A_191 = arith.constant dense<true> : vector<16xi1>
    %masked_sort3A_192, %masked_sort3A_193, %masked_sort3A_194 = tpu.sort %get3A_186, %get3A_190 masked %masked_sort3A_191 : (vector<16xf32>, vector<16xf32>, vector<16xi1>) -> (vector<16xi1>, vector<16xf32>, vector<16xf32>)
    %scan3A = arith.constant 1 : i32
    %scan3A_195 = arith.constant 31 : i32
    %scan3A_196 = arith.addi %scan3A, %scan3A_195 : i32
    %scan3A_197 = arith.constant 1 : i32
    %scan3A_198:32 = scf.for %scan3A_264 = %scan3A to %scan3A_196 step %scan3A_197 iter_args(%scan3A_265 = %masked_sort3A_13, %scan3A_266 = %masked_sort3A_14, %scan3A_267 = %masked_sort3A_25, %scan3A_268 = %masked_sort3A_26, %scan3A_269 = %masked_sort3A_37, %scan3A_270 = %masked_sort3A_38, %scan3A_271 = %masked_sort3A_49, %scan3A_272 = %masked_sort3A_50, %scan3A_273 = %masked_sort3A_61, %scan3A_274 = %masked_sort3A_62, %scan3A_275 = %masked_sort3A_73, %scan3A_276 = %masked_sort3A_74, %scan3A_277 = %masked_sort3A_85, %scan3A_278 = %masked_sort3A_86, %scan3A_279 = %masked_sort3A_97, %scan3A_280 = %masked_sort3A_98, %scan3A_281 = %masked_sort3A_109, %scan3A_282 = %masked_sort3A_110, %scan3A_283 = %masked_sort3A_121, %scan3A_284 = %masked_sort3A_122, %scan3A_285 = %masked_sort3A_133, %scan3A_286 = %masked_sort3A_134, %scan3A_287 = %masked_sort3A_145, %scan3A_288 = %masked_sort3A_146, %scan3A_289 = %masked_sort3A_157, %scan3A_290 = %masked_sort3A_158, %scan3A_291 = %masked_sort3A_169, %scan3A_292 = %masked_sort3A_170, %scan3A_293 = %masked_sort3A_181, %scan3A_294 = %masked_sort3A_182, %scan3A_295 = %masked_sort3A_193, %scan3A_296 = %masked_sort3A_194) -> (vector<16xf32>, vector<16xf32>, vector<16xf32>, vector<16xf32>, vector<16xf32>, vector<16xf32>, vector<16xf32>, vector<16xf32>, vector<16xf32>, vector<16xf32>, vector<16xf32>, vector<16xf32>, vector<16xf32>, vector<16xf32>, vector<16xf32>, vector<16xf32>, vector<16xf32>, vector<16xf32>, vector<16xf32>, vector<16xf32>, vector<16xf32>, vector<16xf32>, vector<16xf32>, vector<16xf32>, vector<16xf32>, vector<16xf32>, vector<16xf32>, vector<16xf32>, vector<16xf32>, vector<16xf32>, vector<16xf32>, vector<16xf32>)  : i32 {
      %mul3A_297 = arith.constant 16 : i32
      %mul3A_298 = arith.muli %scan3A_264, %mul3A_297 : i32
      %get3A_299 = arith.constant 0 : i32
      %get3A_300 = arith.index_cast %get3A_299 : i32 to index
      %get3A_301 = arith.index_cast %mul3A_298 : i32 to index
      %get3A_302 = tpu.vector_load %arg5[%get3A_300, %get3A_301] {strides = array<i32>} : memref<16x512xf32, #tpu.memory_space<vmem>>, vector<16xf32>,
      %mul3A_303 = arith.constant 16 : i32
      %mul3A_304 = arith.muli %scan3A_264, %mul3A_303 : i32
      %get3A_305 = arith.constant 0 : i32
      %get3A_306 = arith.index_cast %get3A_305 : i32 to index
      %get3A_307 = arith.index_cast %mul3A_304 : i32 to index
      %get3A_308 = tpu.vector_load %arg6[%get3A_306, %get3A_307] {strides = array<i32>} : memref<16x512xf32, #tpu.memory_space<vmem>>, vector<16xf32>,
      %masked_sort3A_309 = arith.constant dense<true> : vector<16xi1>
      %masked_sort3A_310, %masked_sort3A_311, %masked_sort3A_312 = tpu.sort %get3A_302, %get3A_308 masked %masked_sort3A_309 : (vector<16xf32>, vector<16xf32>, vector<16xi1>) -> (vector<16xi1>, vector<16xf32>, vector<16xf32>)
      %rev3A = arith.constant 15 : i32
      %rev3A_313 = vector.broadcast %rev3A : i32 to vector<16xi32>
      %rev3A_314 = tpu.iota {dimensions = array<i32: 0>} : vector<16xi32>
      %rev3A_315 = arith.subi %rev3A_313, %rev3A_314 : vector<16xi32>
      %rev3A_316 = tpu.dynamic_gather %masked_sort3A_311[%rev3A_315] in [0] : vector<16xf32>, vector<16xi32> -> vector<16xf32>
      %rev3A_317 = arith.constant 15 : i32
      %rev3A_318 = vector.broadcast %rev3A_317 : i32 to vector<16xi32>
      %rev3A_319 = tpu.iota {dimensions = array<i32: 0>} : vector<16xi32>
      %rev3A_320 = arith.subi %rev3A_318, %rev3A_319 : vector<16xi32>
      %rev3A_321 = tpu.dynamic_gather %masked_sort3A_312[%rev3A_320] in [0] : vector<16xf32>, vector<16xi32> -> vector<16xf32>
      %le3A = arith.cmpf ole, %scan3A_265, %rev3A_316 : vector<16xf32>
      %select_n3A_322 = arith.select %le3A, %scan3A_265, %rev3A_316 : vector<16xi1>, vector<16xf32>
      %select_n3A_323 = arith.select %le3A, %scan3A_266, %rev3A_321 : vector<16xi1>, vector<16xf32>
      %masked_sort3A_324 = arith.constant dense<true> : vector<16xi1>
      %masked_sort3A_325, %masked_sort3A_326, %masked_sort3A_327 = tpu.sort %select_n3A_322, %select_n3A_323 masked %masked_sort3A_324 : (vector<16xf32>, vector<16xf32>, vector<16xi1>) -> (vector<16xi1>, vector<16xf32>, vector<16xf32>)
      %mul3A_328 = arith.constant 16 : i32
      %mul3A_329 = arith.muli %scan3A_264, %mul3A_328 : i32
      %get3A_330 = arith.constant 1 : i32
      %get3A_331 = arith.index_cast %get3A_330 : i32 to index
      %get3A_332 = arith.index_cast %mul3A_329 : i32 to index
      %get3A_333 = tpu.vector_load %arg5[%get3A_331, %get3A_332] {strides = array<i32>} : memref<16x512xf32, #tpu.memory_space<vmem>>, vector<16xf32>,
      %mul3A_334 = arith.constant 16 : i32
      %mul3A_335 = arith.muli %scan3A_264, %mul3A_334 : i32
      %get3A_336 = arith.constant 1 : i32
      %get3A_337 = arith.index_cast %get3A_336 : i32 to index
      %get3A_338 = arith.index_cast %mul3A_335 : i32 to index
      %get3A_339 = tpu.vector_load %arg6[%get3A_337, %get3A_338] {strides = array<i32>} : memref<16x512xf32, #tpu.memory_space<vmem>>, vector<16xf32>,
      %masked_sort3A_340 = arith.constant dense<true> : vector<16xi1>
      %masked_sort3A_341, %masked_sort3A_342, %masked_sort3A_343 = tpu.sort %get3A_333, %get3A_339 masked %masked_sort3A_340 : (vector<16xf32>, vector<16xf32>, vector<16xi1>) -> (vector<16xi1>, vector<16xf32>, vector<16xf32>)
      %rev3A_344 = arith.constant 15 : i32
      %rev3A_345 = vector.broadcast %rev3A_344 : i32 to vector<16xi32>
      %rev3A_346 = tpu.iota {dimensions = array<i32: 0>} : vector<16xi32>
      %rev3A_347 = arith.subi %rev3A_345, %rev3A_346 : vector<16xi32>
      %rev3A_348 = tpu.dynamic_gather %masked_sort3A_342[%rev3A_347] in [0] : vector<16xf32>, vector<16xi32> -> vector<16xf32>
      %rev3A_349 = arith.constant 15 : i32
      %rev3A_350 = vector.broadcast %rev3A_349 : i32 to vector<16xi32>
      %rev3A_351 = tpu.iota {dimensions = array<i32: 0>} : vector<16xi32>
      %rev3A_352 = arith.subi %rev3A_350, %rev3A_351 : vector<16xi32>
      %rev3A_353 = tpu.dynamic_gather %masked_sort3A_343[%rev3A_352] in [0] : vector<16xf32>, vector<16xi32> -> vector<16xf32>
      %le3A_354 = arith.cmpf ole, %scan3A_267, %rev3A_348 : vector<16xf32>
      %select_n3A_355 = arith.select %le3A_354, %scan3A_267, %rev3A_348 : vector<16xi1>, vector<16xf32>
      %select_n3A_356 = arith.select %le3A_354, %scan3A_268, %rev3A_353 : vector<16xi1>, vector<16xf32>
      %masked_sort3A_357 = arith.constant dense<true> : vector<16xi1>
      %masked_sort3A_358, %masked_sort3A_359, %masked_sort3A_360 = tpu.sort %select_n3A_355, %select_n3A_356 masked %masked_sort3A_357 : (vector<16xf32>, vector<16xf32>, vector<16xi1>) -> (vector<16xi1>, vector<16xf32>, vector<16xf32>)
      %mul3A_361 = arith.constant 16 : i32
      %mul3A_362 = arith.muli %scan3A_264, %mul3A_361 : i32
      %get3A_363 = arith.constant 2 : i32
      %get3A_364 = arith.index_cast %get3A_363 : i32 to index
      %get3A_365 = arith.index_cast %mul3A_362 : i32 to index
      %get3A_366 = tpu.vector_load %arg5[%get3A_364, %get3A_365] {strides = array<i32>} : memref<16x512xf32, #tpu.memory_space<vmem>>, vector<16xf32>,
      %mul3A_367 = arith.constant 16 : i32
      %mul3A_368 = arith.muli %scan3A_264, %mul3A_367 : i32
      %get3A_369 = arith.constant 2 : i32
      %get3A_370 = arith.index_cast %get3A_369 : i32 to index
      %get3A_371 = arith.index_cast %mul3A_368 : i32 to index
      %get3A_372 = tpu.vector_load %arg6[%get3A_370, %get3A_371] {strides = array<i32>} : memref<16x512xf32, #tpu.memory_space<vmem>>, vector<16xf32>,
      %masked_sort3A_373 = arith.constant dense<true> : vector<16xi1>
      %masked_sort3A_374, %masked_sort3A_375, %masked_sort3A_376 = tpu.sort %get3A_366, %get3A_372 masked %masked_sort3A_373 : (vector<16xf32>, vector<16xf32>, vector<16xi1>) -> (vector<16xi1>, vector<16xf32>, vector<16xf32>)
      %rev3A_377 = arith.constant 15 : i32
      %rev3A_378 = vector.broadcast %rev3A_377 : i32 to vector<16xi32>
      %rev3A_379 = tpu.iota {dimensions = array<i32: 0>} : vector<16xi32>
      %rev3A_380 = arith.subi %rev3A_378, %rev3A_379 : vector<16xi32>
      %rev3A_381 = tpu.dynamic_gather %masked_sort3A_375[%rev3A_380] in [0] : vector<16xf32>, vector<16xi32> -> vector<16xf32>
      %rev3A_382 = arith.constant 15 : i32
      %rev3A_383 = vector.broadcast %rev3A_382 : i32 to vector<16xi32>
      %rev3A_384 = tpu.iota {dimensions = array<i32: 0>} : vector<16xi32>
      %rev3A_385 = arith.subi %rev3A_383, %rev3A_384 : vector<16xi32>
      %rev3A_386 = tpu.dynamic_gather %masked_sort3A_376[%rev3A_385] in [0] : vector<16xf32>, vector<16xi32> -> vector<16xf32>
      %le3A_387 = arith.cmpf ole, %scan3A_269, %rev3A_381 : vector<16xf32>
      %select_n3A_388 = arith.select %le3A_387, %scan3A_269, %rev3A_381 : vector<16xi1>, vector<16xf32>
      %select_n3A_389 = arith.select %le3A_387, %scan3A_270, %rev3A_386 : vector<16xi1>, vector<16xf32>
      %masked_sort3A_390 = arith.constant dense<true> : vector<16xi1>
      %masked_sort3A_391, %masked_sort3A_392, %masked_sort3A_393 = tpu.sort %select_n3A_388, %select_n3A_389 masked %masked_sort3A_390 : (vector<16xf32>, vector<16xf32>, vector<16xi1>) -> (vector<16xi1>, vector<16xf32>, vector<16xf32>)
      %mul3A_394 = arith.constant 16 : i32
      %mul3A_395 = arith.muli %scan3A_264, %mul3A_394 : i32
      %get3A_396 = arith.constant 3 : i32
      %get3A_397 = arith.index_cast %get3A_396 : i32 to index
      %get3A_398 = arith.index_cast %mul3A_395 : i32 to index
      %get3A_399 = tpu.vector_load %arg5[%get3A_397, %get3A_398] {strides = array<i32>} : memref<16x512xf32, #tpu.memory_space<vmem>>, vector<16xf32>,
      %mul3A_400 = arith.constant 16 : i32
      %mul3A_401 = arith.muli %scan3A_264, %mul3A_400 : i32
      %get3A_402 = arith.constant 3 : i32
      %get3A_403 = arith.index_cast %get3A_402 : i32 to index
      %get3A_404 = arith.index_cast %mul3A_401 : i32 to index
      %get3A_405 = tpu.vector_load %arg6[%get3A_403, %get3A_404] {strides = array<i32>} : memref<16x512xf32, #tpu.memory_space<vmem>>, vector<16xf32>,
      %masked_sort3A_406 = arith.constant dense<true> : vector<16xi1>
      %masked_sort3A_407, %masked_sort3A_408, %masked_sort3A_409 = tpu.sort %get3A_399, %get3A_405 masked %masked_sort3A_406 : (vector<16xf32>, vector<16xf32>, vector<16xi1>) -> (vector<16xi1>, vector<16xf32>, vector<16xf32>)
      %rev3A_410 = arith.constant 15 : i32
      %rev3A_411 = vector.broadcast %rev3A_410 : i32 to vector<16xi32>
      %rev3A_412 = tpu.iota {dimensions = array<i32: 0>} : vector<16xi32>
      %rev3A_413 = arith.subi %rev3A_411, %rev3A_412 : vector<16xi32>
      %rev3A_414 = tpu.dynamic_gather %masked_sort3A_408[%rev3A_413] in [0] : vector<16xf32>, vector<16xi32> -> vector<16xf32>
      %rev3A_415 = arith.constant 15 : i32
      %rev3A_416 = vector.broadcast %rev3A_415 : i32 to vector<16xi32>
      %rev3A_417 = tpu.iota {dimensions = array<i32: 0>} : vector<16xi32>
      %rev3A_418 = arith.subi %rev3A_416, %rev3A_417 : vector<16xi32>
      %rev3A_419 = tpu.dynamic_gather %masked_sort3A_409[%rev3A_418] in [0] : vector<16xf32>, vector<16xi32> -> vector<16xf32>
      %le3A_420 = arith.cmpf ole, %scan3A_271, %rev3A_414 : vector<16xf32>
      %select_n3A_421 = arith.select %le3A_420, %scan3A_271, %rev3A_414 : vector<16xi1>, vector<16xf32>
      %select_n3A_422 = arith.select %le3A_420, %scan3A_272, %rev3A_419 : vector<16xi1>, vector<16xf32>
      %masked_sort3A_423 = arith.constant dense<true> : vector<16xi1>
      %masked_sort3A_424, %masked_sort3A_425, %masked_sort3A_426 = tpu.sort %select_n3A_421, %select_n3A_422 masked %masked_sort3A_423 : (vector<16xf32>, vector<16xf32>, vector<16xi1>) -> (vector<16xi1>, vector<16xf32>, vector<16xf32>)
      %mul3A_427 = arith.constant 16 : i32
      %mul3A_428 = arith.muli %scan3A_264, %mul3A_427 : i32
      %get3A_429 = arith.constant 4 : i32
      %get3A_430 = arith.index_cast %get3A_429 : i32 to index
      %get3A_431 = arith.index_cast %mul3A_428 : i32 to index
      %get3A_432 = tpu.vector_load %arg5[%get3A_430, %get3A_431] {strides = array<i32>} : memref<16x512xf32, #tpu.memory_space<vmem>>, vector<16xf32>,
      %mul3A_433 = arith.constant 16 : i32
      %mul3A_434 = arith.muli %scan3A_264, %mul3A_433 : i32
      %get3A_435 = arith.constant 4 : i32
      %get3A_436 = arith.index_cast %get3A_435 : i32 to index
      %get3A_437 = arith.index_cast %mul3A_434 : i32 to index
      %get3A_438 = tpu.vector_load %arg6[%get3A_436, %get3A_437] {strides = array<i32>} : memref<16x512xf32, #tpu.memory_space<vmem>>, vector<16xf32>,
      %masked_sort3A_439 = arith.constant dense<true> : vector<16xi1>
      %masked_sort3A_440, %masked_sort3A_441, %masked_sort3A_442 = tpu.sort %get3A_432, %get3A_438 masked %masked_sort3A_439 : (vector<16xf32>, vector<16xf32>, vector<16xi1>) -> (vector<16xi1>, vector<16xf32>, vector<16xf32>)
      %rev3A_443 = arith.constant 15 : i32
      %rev3A_444 = vector.broadcast %rev3A_443 : i32 to vector<16xi32>
      %rev3A_445 = tpu.iota {dimensions = array<i32: 0>} : vector<16xi32>
      %rev3A_446 = arith.subi %rev3A_444, %rev3A_445 : vector<16xi32>
      %rev3A_447 = tpu.dynamic_gather %masked_sort3A_441[%rev3A_446] in [0] : vector<16xf32>, vector<16xi32> -> vector<16xf32>
      %rev3A_448 = arith.constant 15 : i32
      %rev3A_449 = vector.broadcast %rev3A_448 : i32 to vector<16xi32>
      %rev3A_450 = tpu.iota {dimensions = array<i32: 0>} : vector<16xi32>
      %rev3A_451 = arith.subi %rev3A_449, %rev3A_450 : vector<16xi32>
      %rev3A_452 = tpu.dynamic_gather %masked_sort3A_442[%rev3A_451] in [0] : vector<16xf32>, vector<16xi32> -> vector<16xf32>
      %le3A_453 = arith.cmpf ole, %scan3A_273, %rev3A_447 : vector<16xf32>
      %select_n3A_454 = arith.select %le3A_453, %scan3A_273, %rev3A_447 : vector<16xi1>, vector<16xf32>
      %select_n3A_455 = arith.select %le3A_453, %scan3A_274, %rev3A_452 : vector<16xi1>, vector<16xf32>
      %masked_sort3A_456 = arith.constant dense<true> : vector<16xi1>
      %masked_sort3A_457, %masked_sort3A_458, %masked_sort3A_459 = tpu.sort %select_n3A_454, %select_n3A_455 masked %masked_sort3A_456 : (vector<16xf32>, vector<16xf32>, vector<16xi1>) -> (vector<16xi1>, vector<16xf32>, vector<16xf32>)
      %mul3A_460 = arith.constant 16 : i32
      %mul3A_461 = arith.muli %scan3A_264, %mul3A_460 : i32
      %get3A_462 = arith.constant 5 : i32
      %get3A_463 = arith.index_cast %get3A_462 : i32 to index
      %get3A_464 = arith.index_cast %mul3A_461 : i32 to index
      %get3A_465 = tpu.vector_load %arg5[%get3A_463, %get3A_464] {strides = array<i32>} : memref<16x512xf32, #tpu.memory_space<vmem>>, vector<16xf32>,
      %mul3A_466 = arith.constant 16 : i32
      %mul3A_467 = arith.muli %scan3A_264, %mul3A_466 : i32
      %get3A_468 = arith.constant 5 : i32
      %get3A_469 = arith.index_cast %get3A_468 : i32 to index
      %get3A_470 = arith.index_cast %mul3A_467 : i32 to index
      %get3A_471 = tpu.vector_load %arg6[%get3A_469, %get3A_470] {strides = array<i32>} : memref<16x512xf32, #tpu.memory_space<vmem>>, vector<16xf32>,
      %masked_sort3A_472 = arith.constant dense<true> : vector<16xi1>
      %masked_sort3A_473, %masked_sort3A_474, %masked_sort3A_475 = tpu.sort %get3A_465, %get3A_471 masked %masked_sort3A_472 : (vector<16xf32>, vector<16xf32>, vector<16xi1>) -> (vector<16xi1>, vector<16xf32>, vector<16xf32>)
      %rev3A_476 = arith.constant 15 : i32
      %rev3A_477 = vector.broadcast %rev3A_476 : i32 to vector<16xi32>
      %rev3A_478 = tpu.iota {dimensions = array<i32: 0>} : vector<16xi32>
      %rev3A_479 = arith.subi %rev3A_477, %rev3A_478 : vector<16xi32>
      %rev3A_480 = tpu.dynamic_gather %masked_sort3A_474[%rev3A_479] in [0] : vector<16xf32>, vector<16xi32> -> vector<16xf32>
      %rev3A_481 = arith.constant 15 : i32
      %rev3A_482 = vector.broadcast %rev3A_481 : i32 to vector<16xi32>
      %rev3A_483 = tpu.iota {dimensions = array<i32: 0>} : vector<16xi32>
      %rev3A_484 = arith.subi %rev3A_482, %rev3A_483 : vector<16xi32>
      %rev3A_485 = tpu.dynamic_gather %masked_sort3A_475[%rev3A_484] in [0] : vector<16xf32>, vector<16xi32> -> vector<16xf32>
      %le3A_486 = arith.cmpf ole, %scan3A_275, %rev3A_480 : vector<16xf32>
      %select_n3A_487 = arith.select %le3A_486, %scan3A_275, %rev3A_480 : vector<16xi1>, vector<16xf32>
      %select_n3A_488 = arith.select %le3A_486, %scan3A_276, %rev3A_485 : vector<16xi1>, vector<16xf32>
      %masked_sort3A_489 = arith.constant dense<true> : vector<16xi1>
      %masked_sort3A_490, %masked_sort3A_491, %masked_sort3A_492 = tpu.sort %select_n3A_487, %select_n3A_488 masked %masked_sort3A_489 : (vector<16xf32>, vector<16xf32>, vector<16xi1>) -> (vector<16xi1>, vector<16xf32>, vector<16xf32>)
      %mul3A_493 = arith.constant 16 : i32
      %mul3A_494 = arith.muli %scan3A_264, %mul3A_493 : i32
      %get3A_495 = arith.constant 6 : i32
      %get3A_496 = arith.index_cast %get3A_495 : i32 to index
      %get3A_497 = arith.index_cast %mul3A_494 : i32 to index
      %get3A_498 = tpu.vector_load %arg5[%get3A_496, %get3A_497] {strides = array<i32>} : memref<16x512xf32, #tpu.memory_space<vmem>>, vector<16xf32>,
      %mul3A_499 = arith.constant 16 : i32
      %mul3A_500 = arith.muli %scan3A_264, %mul3A_499 : i32
      %get3A_501 = arith.constant 6 : i32
      %get3A_502 = arith.index_cast %get3A_501 : i32 to index
      %get3A_503 = arith.index_cast %mul3A_500 : i32 to index
      %get3A_504 = tpu.vector_load %arg6[%get3A_502, %get3A_503] {strides = array<i32>} : memref<16x512xf32, #tpu.memory_space<vmem>>, vector<16xf32>,
      %masked_sort3A_505 = arith.constant dense<true> : vector<16xi1>
      %masked_sort3A_506, %masked_sort3A_507, %masked_sort3A_508 = tpu.sort %get3A_498, %get3A_504 masked %masked_sort3A_505 : (vector<16xf32>, vector<16xf32>, vector<16xi1>) -> (vector<16xi1>, vector<16xf32>, vector<16xf32>)
      %rev3A_509 = arith.constant 15 : i32
      %rev3A_510 = vector.broadcast %rev3A_509 : i32 to vector<16xi32>
      %rev3A_511 = tpu.iota {dimensions = array<i32: 0>} : vector<16xi32>
      %rev3A_512 = arith.subi %rev3A_510, %rev3A_511 : vector<16xi32>
      %rev3A_513 = tpu.dynamic_gather %masked_sort3A_507[%rev3A_512] in [0] : vector<16xf32>, vector<16xi32> -> vector<16xf32>
      %rev3A_514 = arith.constant 15 : i32
      %rev3A_515 = vector.broadcast %rev3A_514 : i32 to vector<16xi32>
      %rev3A_516 = tpu.iota {dimensions = array<i32: 0>} : vector<16xi32>
      %rev3A_517 = arith.subi %rev3A_515, %rev3A_516 : vector<16xi32>
      %rev3A_518 = tpu.dynamic_gather %masked_sort3A_508[%rev3A_517] in [0] : vector<16xf32>, vector<16xi32> -> vector<16xf32>
      %le3A_519 = arith.cmpf ole, %scan3A_277, %rev3A_513 : vector<16xf32>
      %select_n3A_520 = arith.select %le3A_519, %scan3A_277, %rev3A_513 : vector<16xi1>, vector<16xf32>
      %select_n3A_521 = arith.select %le3A_519, %scan3A_278, %rev3A_518 : vector<16xi1>, vector<16xf32>
      %masked_sort3A_522 = arith.constant dense<true> : vector<16xi1>
      %masked_sort3A_523, %masked_sort3A_524, %masked_sort3A_525 = tpu.sort %select_n3A_520, %select_n3A_521 masked %masked_sort3A_522 : (vector<16xf32>, vector<16xf32>, vector<16xi1>) -> (vector<16xi1>, vector<16xf32>, vector<16xf32>)
      %mul3A_526 = arith.constant 16 : i32
      %mul3A_527 = arith.muli %scan3A_264, %mul3A_526 : i32
      %get3A_528 = arith.constant 7 : i32
      %get3A_529 = arith.index_cast %get3A_528 : i32 to index
      %get3A_530 = arith.index_cast %mul3A_527 : i32 to index
      %get3A_531 = tpu.vector_load %arg5[%get3A_529, %get3A_530] {strides = array<i32>} : memref<16x512xf32, #tpu.memory_space<vmem>>, vector<16xf32>,
      %mul3A_532 = arith.constant 16 : i32
      %mul3A_533 = arith.muli %scan3A_264, %mul3A_532 : i32
      %get3A_534 = arith.constant 7 : i32
      %get3A_535 = arith.index_cast %get3A_534 : i32 to index
      %get3A_536 = arith.index_cast %mul3A_533 : i32 to index
      %get3A_537 = tpu.vector_load %arg6[%get3A_535, %get3A_536] {strides = array<i32>} : memref<16x512xf32, #tpu.memory_space<vmem>>, vector<16xf32>,
      %masked_sort3A_538 = arith.constant dense<true> : vector<16xi1>
      %masked_sort3A_539, %masked_sort3A_540, %masked_sort3A_541 = tpu.sort %get3A_531, %get3A_537 masked %masked_sort3A_538 : (vector<16xf32>, vector<16xf32>, vector<16xi1>) -> (vector<16xi1>, vector<16xf32>, vector<16xf32>)
      %rev3A_542 = arith.constant 15 : i32
      %rev3A_543 = vector.broadcast %rev3A_542 : i32 to vector<16xi32>
      %rev3A_544 = tpu.iota {dimensions = array<i32: 0>} : vector<16xi32>
      %rev3A_545 = arith.subi %rev3A_543, %rev3A_544 : vector<16xi32>
      %rev3A_546 = tpu.dynamic_gather %masked_sort3A_540[%rev3A_545] in [0] : vector<16xf32>, vector<16xi32> -> vector<16xf32>
      %rev3A_547 = arith.constant 15 : i32
      %rev3A_548 = vector.broadcast %rev3A_547 : i32 to vector<16xi32>
      %rev3A_549 = tpu.iota {dimensions = array<i32: 0>} : vector<16xi32>
      %rev3A_550 = arith.subi %rev3A_548, %rev3A_549 : vector<16xi32>
      %rev3A_551 = tpu.dynamic_gather %masked_sort3A_541[%rev3A_550] in [0] : vector<16xf32>, vector<16xi32> -> vector<16xf32>
      %le3A_552 = arith.cmpf ole, %scan3A_279, %rev3A_546 : vector<16xf32>
      %select_n3A_553 = arith.select %le3A_552, %scan3A_279, %rev3A_546 : vector<16xi1>, vector<16xf32>
      %select_n3A_554 = arith.select %le3A_552, %scan3A_280, %rev3A_551 : vector<16xi1>, vector<16xf32>
      %masked_sort3A_555 = arith.constant dense<true> : vector<16xi1>
      %masked_sort3A_556, %masked_sort3A_557, %masked_sort3A_558 = tpu.sort %select_n3A_553, %select_n3A_554 masked %masked_sort3A_555 : (vector<16xf32>, vector<16xf32>, vector<16xi1>) -> (vector<16xi1>, vector<16xf32>, vector<16xf32>)
      %mul3A_559 = arith.constant 16 : i32
      %mul3A_560 = arith.muli %scan3A_264, %mul3A_559 : i32
      %get3A_561 = arith.constant 8 : i32
      %get3A_562 = arith.index_cast %get3A_561 : i32 to index
      %get3A_563 = arith.index_cast %mul3A_560 : i32 to index
      %get3A_564 = tpu.vector_load %arg5[%get3A_562, %get3A_563] {strides = array<i32>} : memref<16x512xf32, #tpu.memory_space<vmem>>, vector<16xf32>,
      %mul3A_565 = arith.constant 16 : i32
      %mul3A_566 = arith.muli %scan3A_264, %mul3A_565 : i32
      %get3A_567 = arith.constant 8 : i32
      %get3A_568 = arith.index_cast %get3A_567 : i32 to index
      %get3A_569 = arith.index_cast %mul3A_566 : i32 to index
      %get3A_570 = tpu.vector_load %arg6[%get3A_568, %get3A_569] {strides = array<i32>} : memref<16x512xf32, #tpu.memory_space<vmem>>, vector<16xf32>,
      %masked_sort3A_571 = arith.constant dense<true> : vector<16xi1>
      %masked_sort3A_572, %masked_sort3A_573, %masked_sort3A_574 = tpu.sort %get3A_564, %get3A_570 masked %masked_sort3A_571 : (vector<16xf32>, vector<16xf32>, vector<16xi1>) -> (vector<16xi1>, vector<16xf32>, vector<16xf32>)
      %rev3A_575 = arith.constant 15 : i32
      %rev3A_576 = vector.broadcast %rev3A_575 : i32 to vector<16xi32>
      %rev3A_577 = tpu.iota {dimensions = array<i32: 0>} : vector<16xi32>
      %rev3A_578 = arith.subi %rev3A_576, %rev3A_577 : vector<16xi32>
      %rev3A_579 = tpu.dynamic_gather %masked_sort3A_573[%rev3A_578] in [0] : vector<16xf32>, vector<16xi32> -> vector<16xf32>
      %rev3A_580 = arith.constant 15 : i32
      %rev3A_581 = vector.broadcast %rev3A_580 : i32 to vector<16xi32>
      %rev3A_582 = tpu.iota {dimensions = array<i32: 0>} : vector<16xi32>
      %rev3A_583 = arith.subi %rev3A_581, %rev3A_582 : vector<16xi32>
      %rev3A_584 = tpu.dynamic_gather %masked_sort3A_574[%rev3A_583] in [0] : vector<16xf32>, vector<16xi32> -> vector<16xf32>
      %le3A_585 = arith.cmpf ole, %scan3A_281, %rev3A_579 : vector<16xf32>
      %select_n3A_586 = arith.select %le3A_585, %scan3A_281, %rev3A_579 : vector<16xi1>, vector<16xf32>
      %select_n3A_587 = arith.select %le3A_585, %scan3A_282, %rev3A_584 : vector<16xi1>, vector<16xf32>
      %masked_sort3A_588 = arith.constant dense<true> : vector<16xi1>
      %masked_sort3A_589, %masked_sort3A_590, %masked_sort3A_591 = tpu.sort %select_n3A_586, %select_n3A_587 masked %masked_sort3A_588 : (vector<16xf32>, vector<16xf32>, vector<16xi1>) -> (vector<16xi1>, vector<16xf32>, vector<16xf32>)
      %mul3A_592 = arith.constant 16 : i32
      %mul3A_593 = arith.muli %scan3A_264, %mul3A_592 : i32
      %get3A_594 = arith.constant 9 : i32
      %get3A_595 = arith.index_cast %get3A_594 : i32 to index
      %get3A_596 = arith.index_cast %mul3A_593 : i32 to index
      %get3A_597 = tpu.vector_load %arg5[%get3A_595, %get3A_596] {strides = array<i32>} : memref<16x512xf32, #tpu.memory_space<vmem>>, vector<16xf32>,
      %mul3A_598 = arith.constant 16 : i32
      %mul3A_599 = arith.muli %scan3A_264, %mul3A_598 : i32
      %get3A_600 = arith.constant 9 : i32
      %get3A_601 = arith.index_cast %get3A_600 : i32 to index
      %get3A_602 = arith.index_cast %mul3A_599 : i32 to index
      %get3A_603 = tpu.vector_load %arg6[%get3A_601, %get3A_602] {strides = array<i32>} : memref<16x512xf32, #tpu.memory_space<vmem>>, vector<16xf32>,
      %masked_sort3A_604 = arith.constant dense<true> : vector<16xi1>
      %masked_sort3A_605, %masked_sort3A_606, %masked_sort3A_607 = tpu.sort %get3A_597, %get3A_603 masked %masked_sort3A_604 : (vector<16xf32>, vector<16xf32>, vector<16xi1>) -> (vector<16xi1>, vector<16xf32>, vector<16xf32>)
      %rev3A_608 = arith.constant 15 : i32
      %rev3A_609 = vector.broadcast %rev3A_608 : i32 to vector<16xi32>
      %rev3A_610 = tpu.iota {dimensions = array<i32: 0>} : vector<16xi32>
      %rev3A_611 = arith.subi %rev3A_609, %rev3A_610 : vector<16xi32>
      %rev3A_612 = tpu.dynamic_gather %masked_sort3A_606[%rev3A_611] in [0] : vector<16xf32>, vector<16xi32> -> vector<16xf32>
      %rev3A_613 = arith.constant 15 : i32
      %rev3A_614 = vector.broadcast %rev3A_613 : i32 to vector<16xi32>
      %rev3A_615 = tpu.iota {dimensions = array<i32: 0>} : vector<16xi32>
      %rev3A_616 = arith.subi %rev3A_614, %rev3A_615 : vector<16xi32>
      %rev3A_617 = tpu.dynamic_gather %masked_sort3A_607[%rev3A_616] in [0] : vector<16xf32>, vector<16xi32> -> vector<16xf32>
      %le3A_618 = arith.cmpf ole, %scan3A_283, %rev3A_612 : vector<16xf32>
      %select_n3A_619 = arith.select %le3A_618, %scan3A_283, %rev3A_612 : vector<16xi1>, vector<16xf32>
      %select_n3A_620 = arith.select %le3A_618, %scan3A_284, %rev3A_617 : vector<16xi1>, vector<16xf32>
      %masked_sort3A_621 = arith.constant dense<true> : vector<16xi1>
      %masked_sort3A_622, %masked_sort3A_623, %masked_sort3A_624 = tpu.sort %select_n3A_619, %select_n3A_620 masked %masked_sort3A_621 : (vector<16xf32>, vector<16xf32>, vector<16xi1>) -> (vector<16xi1>, vector<16xf32>, vector<16xf32>)
      %mul3A_625 = arith.constant 16 : i32
      %mul3A_626 = arith.muli %scan3A_264, %mul3A_625 : i32
      %get3A_627 = arith.constant 10 : i32
      %get3A_628 = arith.index_cast %get3A_627 : i32 to index
      %get3A_629 = arith.index_cast %mul3A_626 : i32 to index
      %get3A_630 = tpu.vector_load %arg5[%get3A_628, %get3A_629] {strides = array<i32>} : memref<16x512xf32, #tpu.memory_space<vmem>>, vector<16xf32>,
      %mul3A_631 = arith.constant 16 : i32
      %mul3A_632 = arith.muli %scan3A_264, %mul3A_631 : i32
      %get3A_633 = arith.constant 10 : i32
      %get3A_634 = arith.index_cast %get3A_633 : i32 to index
      %get3A_635 = arith.index_cast %mul3A_632 : i32 to index
      %get3A_636 = tpu.vector_load %arg6[%get3A_634, %get3A_635] {strides = array<i32>} : memref<16x512xf32, #tpu.memory_space<vmem>>, vector<16xf32>,
      %masked_sort3A_637 = arith.constant dense<true> : vector<16xi1>
      %masked_sort3A_638, %masked_sort3A_639, %masked_sort3A_640 = tpu.sort %get3A_630, %get3A_636 masked %masked_sort3A_637 : (vector<16xf32>, vector<16xf32>, vector<16xi1>) -> (vector<16xi1>, vector<16xf32>, vector<16xf32>)
      %rev3A_641 = arith.constant 15 : i32
      %rev3A_642 = vector.broadcast %rev3A_641 : i32 to vector<16xi32>
      %rev3A_643 = tpu.iota {dimensions = array<i32: 0>} : vector<16xi32>
      %rev3A_644 = arith.subi %rev3A_642, %rev3A_643 : vector<16xi32>
      %rev3A_645 = tpu.dynamic_gather %masked_sort3A_639[%rev3A_644] in [0] : vector<16xf32>, vector<16xi32> -> vector<16xf32>
      %rev3A_646 = arith.constant 15 : i32
      %rev3A_647 = vector.broadcast %rev3A_646 : i32 to vector<16xi32>
      %rev3A_648 = tpu.iota {dimensions = array<i32: 0>} : vector<16xi32>
      %rev3A_649 = arith.subi %rev3A_647, %rev3A_648 : vector<16xi32>
      %rev3A_650 = tpu.dynamic_gather %masked_sort3A_640[%rev3A_649] in [0] : vector<16xf32>, vector<16xi32> -> vector<16xf32>
      %le3A_651 = arith.cmpf ole, %scan3A_285, %rev3A_645 : vector<16xf32>
      %select_n3A_652 = arith.select %le3A_651, %scan3A_285, %rev3A_645 : vector<16xi1>, vector<16xf32>
      %select_n3A_653 = arith.select %le3A_651, %scan3A_286, %rev3A_650 : vector<16xi1>, vector<16xf32>
      %masked_sort3A_654 = arith.constant dense<true> : vector<16xi1>
      %masked_sort3A_655, %masked_sort3A_656, %masked_sort3A_657 = tpu.sort %select_n3A_652, %select_n3A_653 masked %masked_sort3A_654 : (vector<16xf32>, vector<16xf32>, vector<16xi1>) -> (vector<16xi1>, vector<16xf32>, vector<16xf32>)
      %mul3A_658 = arith.constant 16 : i32
      %mul3A_659 = arith.muli %scan3A_264, %mul3A_658 : i32
      %get3A_660 = arith.constant 11 : i32
      %get3A_661 = arith.index_cast %get3A_660 : i32 to index
      %get3A_662 = arith.index_cast %mul3A_659 : i32 to index
      %get3A_663 = tpu.vector_load %arg5[%get3A_661, %get3A_662] {strides = array<i32>} : memref<16x512xf32, #tpu.memory_space<vmem>>, vector<16xf32>,
      %mul3A_664 = arith.constant 16 : i32
      %mul3A_665 = arith.muli %scan3A_264, %mul3A_664 : i32
      %get3A_666 = arith.constant 11 : i32
      %get3A_667 = arith.index_cast %get3A_666 : i32 to index
      %get3A_668 = arith.index_cast %mul3A_665 : i32 to index
      %get3A_669 = tpu.vector_load %arg6[%get3A_667, %get3A_668] {strides = array<i32>} : memref<16x512xf32, #tpu.memory_space<vmem>>, vector<16xf32>,
      %masked_sort3A_670 = arith.constant dense<true> : vector<16xi1>
      %masked_sort3A_671, %masked_sort3A_672, %masked_sort3A_673 = tpu.sort %get3A_663, %get3A_669 masked %masked_sort3A_670 : (vector<16xf32>, vector<16xf32>, vector<16xi1>) -> (vector<16xi1>, vector<16xf32>, vector<16xf32>)
      %rev3A_674 = arith.constant 15 : i32
      %rev3A_675 = vector.broadcast %rev3A_674 : i32 to vector<16xi32>
      %rev3A_676 = tpu.iota {dimensions = array<i32: 0>} : vector<16xi32>
      %rev3A_677 = arith.subi %rev3A_675, %rev3A_676 : vector<16xi32>
      %rev3A_678 = tpu.dynamic_gather %masked_sort3A_672[%rev3A_677] in [0] : vector<16xf32>, vector<16xi32> -> vector<16xf32>
      %rev3A_679 = arith.constant 15 : i32
      %rev3A_680 = vector.broadcast %rev3A_679 : i32 to vector<16xi32>
      %rev3A_681 = tpu.iota {dimensions = array<i32: 0>} : vector<16xi32>
      %rev3A_682 = arith.subi %rev3A_680, %rev3A_681 : vector<16xi32>
      %rev3A_683 = tpu.dynamic_gather %masked_sort3A_673[%rev3A_682] in [0] : vector<16xf32>, vector<16xi32> -> vector<16xf32>
      %le3A_684 = arith.cmpf ole, %scan3A_287, %rev3A_678 : vector<16xf32>
      %select_n3A_685 = arith.select %le3A_684, %scan3A_287, %rev3A_678 : vector<16xi1>, vector<16xf32>
      %select_n3A_686 = arith.select %le3A_684, %scan3A_288, %rev3A_683 : vector<16xi1>, vector<16xf32>
      %masked_sort3A_687 = arith.constant dense<true> : vector<16xi1>
      %masked_sort3A_688, %masked_sort3A_689, %masked_sort3A_690 = tpu.sort %select_n3A_685, %select_n3A_686 masked %masked_sort3A_687 : (vector<16xf32>, vector<16xf32>, vector<16xi1>) -> (vector<16xi1>, vector<16xf32>, vector<16xf32>)
      %mul3A_691 = arith.constant 16 : i32
      %mul3A_692 = arith.muli %scan3A_264, %mul3A_691 : i32
      %get3A_693 = arith.constant 12 : i32
      %get3A_694 = arith.index_cast %get3A_693 : i32 to index
      %get3A_695 = arith.index_cast %mul3A_692 : i32 to index
      %get3A_696 = tpu.vector_load %arg5[%get3A_694, %get3A_695] {strides = array<i32>} : memref<16x512xf32, #tpu.memory_space<vmem>>, vector<16xf32>,
      %mul3A_697 = arith.constant 16 : i32
      %mul3A_698 = arith.muli %scan3A_264, %mul3A_697 : i32
      %get3A_699 = arith.constant 12 : i32
      %get3A_700 = arith.index_cast %get3A_699 : i32 to index
      %get3A_701 = arith.index_cast %mul3A_698 : i32 to index
      %get3A_702 = tpu.vector_load %arg6[%get3A_700, %get3A_701] {strides = array<i32>} : memref<16x512xf32, #tpu.memory_space<vmem>>, vector<16xf32>,
      %masked_sort3A_703 = arith.constant dense<true> : vector<16xi1>
      %masked_sort3A_704, %masked_sort3A_705, %masked_sort3A_706 = tpu.sort %get3A_696, %get3A_702 masked %masked_sort3A_703 : (vector<16xf32>, vector<16xf32>, vector<16xi1>) -> (vector<16xi1>, vector<16xf32>, vector<16xf32>)
      %rev3A_707 = arith.constant 15 : i32
      %rev3A_708 = vector.broadcast %rev3A_707 : i32 to vector<16xi32>
      %rev3A_709 = tpu.iota {dimensions = array<i32: 0>} : vector<16xi32>
      %rev3A_710 = arith.subi %rev3A_708, %rev3A_709 : vector<16xi32>
      %rev3A_711 = tpu.dynamic_gather %masked_sort3A_705[%rev3A_710] in [0] : vector<16xf32>, vector<16xi32> -> vector<16xf32>
      %rev3A_712 = arith.constant 15 : i32
      %rev3A_713 = vector.broadcast %rev3A_712 : i32 to vector<16xi32>
      %rev3A_714 = tpu.iota {dimensions = array<i32: 0>} : vector<16xi32>
      %rev3A_715 = arith.subi %rev3A_713, %rev3A_714 : vector<16xi32>
      %rev3A_716 = tpu.dynamic_gather %masked_sort3A_706[%rev3A_715] in [0] : vector<16xf32>, vector<16xi32> -> vector<16xf32>
      %le3A_717 = arith.cmpf ole, %scan3A_289, %rev3A_711 : vector<16xf32>
      %select_n3A_718 = arith.select %le3A_717, %scan3A_289, %rev3A_711 : vector<16xi1>, vector<16xf32>
      %select_n3A_719 = arith.select %le3A_717, %scan3A_290, %rev3A_716 : vector<16xi1>, vector<16xf32>
      %masked_sort3A_720 = arith.constant dense<true> : vector<16xi1>
      %masked_sort3A_721, %masked_sort3A_722, %masked_sort3A_723 = tpu.sort %select_n3A_718, %select_n3A_719 masked %masked_sort3A_720 : (vector<16xf32>, vector<16xf32>, vector<16xi1>) -> (vector<16xi1>, vector<16xf32>, vector<16xf32>)
      %mul3A_724 = arith.constant 16 : i32
      %mul3A_725 = arith.muli %scan3A_264, %mul3A_724 : i32
      %get3A_726 = arith.constant 13 : i32
      %get3A_727 = arith.index_cast %get3A_726 : i32 to index
      %get3A_728 = arith.index_cast %mul3A_725 : i32 to index
      %get3A_729 = tpu.vector_load %arg5[%get3A_727, %get3A_728] {strides = array<i32>} : memref<16x512xf32, #tpu.memory_space<vmem>>, vector<16xf32>,
      %mul3A_730 = arith.constant 16 : i32
      %mul3A_731 = arith.muli %scan3A_264, %mul3A_730 : i32
      %get3A_732 = arith.constant 13 : i32
      %get3A_733 = arith.index_cast %get3A_732 : i32 to index
      %get3A_734 = arith.index_cast %mul3A_731 : i32 to index
      %get3A_735 = tpu.vector_load %arg6[%get3A_733, %get3A_734] {strides = array<i32>} : memref<16x512xf32, #tpu.memory_space<vmem>>, vector<16xf32>,
      %masked_sort3A_736 = arith.constant dense<true> : vector<16xi1>
      %masked_sort3A_737, %masked_sort3A_738, %masked_sort3A_739 = tpu.sort %get3A_729, %get3A_735 masked %masked_sort3A_736 : (vector<16xf32>, vector<16xf32>, vector<16xi1>) -> (vector<16xi1>, vector<16xf32>, vector<16xf32>)
      %rev3A_740 = arith.constant 15 : i32
      %rev3A_741 = vector.broadcast %rev3A_740 : i32 to vector<16xi32>
      %rev3A_742 = tpu.iota {dimensions = array<i32: 0>} : vector<16xi32>
      %rev3A_743 = arith.subi %rev3A_741, %rev3A_742 : vector<16xi32>
      %rev3A_744 = tpu.dynamic_gather %masked_sort3A_738[%rev3A_743] in [0] : vector<16xf32>, vector<16xi32> -> vector<16xf32>
      %rev3A_745 = arith.constant 15 : i32
      %rev3A_746 = vector.broadcast %rev3A_745 : i32 to vector<16xi32>
      %rev3A_747 = tpu.iota {dimensions = array<i32: 0>} : vector<16xi32>
      %rev3A_748 = arith.subi %rev3A_746, %rev3A_747 : vector<16xi32>
      %rev3A_749 = tpu.dynamic_gather %masked_sort3A_739[%rev3A_748] in [0] : vector<16xf32>, vector<16xi32> -> vector<16xf32>
      %le3A_750 = arith.cmpf ole, %scan3A_291, %rev3A_744 : vector<16xf32>
      %select_n3A_751 = arith.select %le3A_750, %scan3A_291, %rev3A_744 : vector<16xi1>, vector<16xf32>
      %select_n3A_752 = arith.select %le3A_750, %scan3A_292, %rev3A_749 : vector<16xi1>, vector<16xf32>
      %masked_sort3A_753 = arith.constant dense<true> : vector<16xi1>
      %masked_sort3A_754, %masked_sort3A_755, %masked_sort3A_756 = tpu.sort %select_n3A_751, %select_n3A_752 masked %masked_sort3A_753 : (vector<16xf32>, vector<16xf32>, vector<16xi1>) -> (vector<16xi1>, vector<16xf32>, vector<16xf32>)
      %mul3A_757 = arith.constant 16 : i32
      %mul3A_758 = arith.muli %scan3A_264, %mul3A_757 : i32
      %get3A_759 = arith.constant 14 : i32
      %get3A_760 = arith.index_cast %get3A_759 : i32 to index
      %get3A_761 = arith.index_cast %mul3A_758 : i32 to index
      %get3A_762 = tpu.vector_load %arg5[%get3A_760, %get3A_761] {strides = array<i32>} : memref<16x512xf32, #tpu.memory_space<vmem>>, vector<16xf32>,
      %mul3A_763 = arith.constant 16 : i32
      %mul3A_764 = arith.muli %scan3A_264, %mul3A_763 : i32
      %get3A_765 = arith.constant 14 : i32
      %get3A_766 = arith.index_cast %get3A_765 : i32 to index
      %get3A_767 = arith.index_cast %mul3A_764 : i32 to index
      %get3A_768 = tpu.vector_load %arg6[%get3A_766, %get3A_767] {strides = array<i32>} : memref<16x512xf32, #tpu.memory_space<vmem>>, vector<16xf32>,
      %masked_sort3A_769 = arith.constant dense<true> : vector<16xi1>
      %masked_sort3A_770, %masked_sort3A_771, %masked_sort3A_772 = tpu.sort %get3A_762, %get3A_768 masked %masked_sort3A_769 : (vector<16xf32>, vector<16xf32>, vector<16xi1>) -> (vector<16xi1>, vector<16xf32>, vector<16xf32>)
      %rev3A_773 = arith.constant 15 : i32
      %rev3A_774 = vector.broadcast %rev3A_773 : i32 to vector<16xi32>
      %rev3A_775 = tpu.iota {dimensions = array<i32: 0>} : vector<16xi32>
      %rev3A_776 = arith.subi %rev3A_774, %rev3A_775 : vector<16xi32>
      %rev3A_777 = tpu.dynamic_gather %masked_sort3A_771[%rev3A_776] in [0] : vector<16xf32>, vector<16xi32> -> vector<16xf32>
      %rev3A_778 = arith.constant 15 : i32
      %rev3A_779 = vector.broadcast %rev3A_778 : i32 to vector<16xi32>
      %rev3A_780 = tpu.iota {dimensions = array<i32: 0>} : vector<16xi32>
      %rev3A_781 = arith.subi %rev3A_779, %rev3A_780 : vector<16xi32>
      %rev3A_782 = tpu.dynamic_gather %masked_sort3A_772[%rev3A_781] in [0] : vector<16xf32>, vector<16xi32> -> vector<16xf32>
      %le3A_783 = arith.cmpf ole, %scan3A_293, %rev3A_777 : vector<16xf32>
      %select_n3A_784 = arith.select %le3A_783, %scan3A_293, %rev3A_777 : vector<16xi1>, vector<16xf32>
      %select_n3A_785 = arith.select %le3A_783, %scan3A_294, %rev3A_782 : vector<16xi1>, vector<16xf32>
      %masked_sort3A_786 = arith.constant dense<true> : vector<16xi1>
      %masked_sort3A_787, %masked_sort3A_788, %masked_sort3A_789 = tpu.sort %select_n3A_784, %select_n3A_785 masked %masked_sort3A_786 : (vector<16xf32>, vector<16xf32>, vector<16xi1>) -> (vector<16xi1>, vector<16xf32>, vector<16xf32>)
      %mul3A_790 = arith.constant 16 : i32
      %mul3A_791 = arith.muli %scan3A_264, %mul3A_790 : i32
      %get3A_792 = arith.constant 15 : i32
      %get3A_793 = arith.index_cast %get3A_792 : i32 to index
      %get3A_794 = arith.index_cast %mul3A_791 : i32 to index
      %get3A_795 = tpu.vector_load %arg5[%get3A_793, %get3A_794] {strides = array<i32>} : memref<16x512xf32, #tpu.memory_space<vmem>>, vector<16xf32>,
      %mul3A_796 = arith.constant 16 : i32
      %mul3A_797 = arith.muli %scan3A_264, %mul3A_796 : i32
      %get3A_798 = arith.constant 15 : i32
      %get3A_799 = arith.index_cast %get3A_798 : i32 to index
      %get3A_800 = arith.index_cast %mul3A_797 : i32 to index
      %get3A_801 = tpu.vector_load %arg6[%get3A_799, %get3A_800] {strides = array<i32>} : memref<16x512xf32, #tpu.memory_space<vmem>>, vector<16xf32>,
      %masked_sort3A_802 = arith.constant dense<true> : vector<16xi1>
      %masked_sort3A_803, %masked_sort3A_804, %masked_sort3A_805 = tpu.sort %get3A_795, %get3A_801 masked %masked_sort3A_802 : (vector<16xf32>, vector<16xf32>, vector<16xi1>) -> (vector<16xi1>, vector<16xf32>, vector<16xf32>)
      %rev3A_806 = arith.constant 15 : i32
      %rev3A_807 = vector.broadcast %rev3A_806 : i32 to vector<16xi32>
      %rev3A_808 = tpu.iota {dimensions = array<i32: 0>} : vector<16xi32>
      %rev3A_809 = arith.subi %rev3A_807, %rev3A_808 : vector<16xi32>
      %rev3A_810 = tpu.dynamic_gather %masked_sort3A_804[%rev3A_809] in [0] : vector<16xf32>, vector<16xi32> -> vector<16xf32>
      %rev3A_811 = arith.constant 15 : i32
      %rev3A_812 = vector.broadcast %rev3A_811 : i32 to vector<16xi32>
      %rev3A_813 = tpu.iota {dimensions = array<i32: 0>} : vector<16xi32>
      %rev3A_814 = arith.subi %rev3A_812, %rev3A_813 : vector<16xi32>
      %rev3A_815 = tpu.dynamic_gather %masked_sort3A_805[%rev3A_814] in [0] : vector<16xf32>, vector<16xi32> -> vector<16xf32>
      %le3A_816 = arith.cmpf ole, %scan3A_295, %rev3A_810 : vector<16xf32>
      %select_n3A_817 = arith.select %le3A_816, %scan3A_295, %rev3A_810 : vector<16xi1>, vector<16xf32>
      %select_n3A_818 = arith.select %le3A_816, %scan3A_296, %rev3A_815 : vector<16xi1>, vector<16xf32>
      %masked_sort3A_819 = arith.constant dense<true> : vector<16xi1>
      %masked_sort3A_820, %masked_sort3A_821, %masked_sort3A_822 = tpu.sort %select_n3A_817, %select_n3A_818 masked %masked_sort3A_819 : (vector<16xf32>, vector<16xf32>, vector<16xi1>) -> (vector<16xi1>, vector<16xf32>, vector<16xf32>)
      scf.yield %masked_sort3A_326, %masked_sort3A_327, %masked_sort3A_359, %masked_sort3A_360, %masked_sort3A_392, %masked_sort3A_393, %masked_sort3A_425, %masked_sort3A_426, %masked_sort3A_458, %masked_sort3A_459, %masked_sort3A_491, %masked_sort3A_492, %masked_sort3A_524, %masked_sort3A_525, %masked_sort3A_557, %masked_sort3A_558, %masked_sort3A_590, %masked_sort3A_591, %masked_sort3A_623, %masked_sort3A_624, %masked_sort3A_656, %masked_sort3A_657, %masked_sort3A_689, %masked_sort3A_690, %masked_sort3A_722, %masked_sort3A_723, %masked_sort3A_755, %masked_sort3A_756, %masked_sort3A_788, %masked_sort3A_789, %masked_sort3A_821, %masked_sort3A_822 : vector<16xf32>, vector<16xf32>, vector<16xf32>, vector<16xf32>, vector<16xf32>, vector<16xf32>, vector<16xf32>, vector<16xf32>, vector<16xf32>, vector<16xf32>, vector<16xf32>, vector<16xf32>, vector<16xf32>, vector<16xf32>, vector<16xf32>, vector<16xf32>, vector<16xf32>, vector<16xf32>, vector<16xf32>, vector<16xf32>, vector<16xf32>, vector<16xf32>, vector<16xf32>, vector<16xf32>, vector<16xf32>, vector<16xf32>, vector<16xf32>, vector<16xf32>, vector<16xf32>, vector<16xf32>, vector<16xf32>, vector<16xf32>
    }
    %scan3A_199 = arith.constant 31 : i32
    %broadcast_in_dim3A = arith.constant 0.000000e+00 : f32
    %broadcast_in_dim3A_200 = vector.broadcast %broadcast_in_dim3A : f32 to vector<16xf32>
    %jit3A = arith.constant 0.000000e+00 : f32
    %broadcast_in_dim3A_201 = vector.broadcast %jit3A : f32 to vector<16xf32>
    %select_n3A = arith.select %lt3A_4, %scan3A_198#1, %broadcast_in_dim3A_201 : vector<16xi1>, vector<16xf32>
    %add3A_202 = arith.addf %broadcast_in_dim3A_200, %select_n3A : vector<16xf32>
    %jit3A_203 = arith.constant 0.000000e+00 : f32
    %broadcast_in_dim3A_204 = vector.broadcast %jit3A_203 : f32 to vector<16xf32>
    %select_n3A_205 = arith.select %lt3A_4, %scan3A_198#3, %broadcast_in_dim3A_204 : vector<16xi1>, vector<16xf32>
    %add3A_206 = arith.addf %add3A_202, %select_n3A_205 : vector<16xf32>
    %jit3A_207 = arith.constant 0.000000e+00 : f32
    %broadcast_in_dim3A_208 = vector.broadcast %jit3A_207 : f32 to vector<16xf32>
    %select_n3A_209 = arith.select %lt3A_4, %scan3A_198#5, %broadcast_in_dim3A_208 : vector<16xi1>, vector<16xf32>
    %add3A_210 = arith.addf %add3A_206, %select_n3A_209 : vector<16xf32>
    %jit3A_211 = arith.constant 0.000000e+00 : f32
    %broadcast_in_dim3A_212 = vector.broadcast %jit3A_211 : f32 to vector<16xf32>
    %select_n3A_213 = arith.select %lt3A_4, %scan3A_198#7, %broadcast_in_dim3A_212 : vector<16xi1>, vector<16xf32>
    %add3A_214 = arith.addf %add3A_210, %select_n3A_213 : vector<16xf32>
    %jit3A_215 = arith.constant 0.000000e+00 : f32
    %broadcast_in_dim3A_216 = vector.broadcast %jit3A_215 : f32 to vector<16xf32>
    %select_n3A_217 = arith.select %lt3A_4, %scan3A_198#9, %broadcast_in_dim3A_216 : vector<16xi1>, vector<16xf32>
    %add3A_218 = arith.addf %add3A_214, %select_n3A_217 : vector<16xf32>
    %jit3A_219 = arith.constant 0.000000e+00 : f32
    %broadcast_in_dim3A_220 = vector.broadcast %jit3A_219 : f32 to vector<16xf32>
    %select_n3A_221 = arith.select %lt3A_4, %scan3A_198#11, %broadcast_in_dim3A_220 : vector<16xi1>, vector<16xf32>
    %add3A_222 = arith.addf %add3A_218, %select_n3A_221 : vector<16xf32>
    %jit3A_223 = arith.constant 0.000000e+00 : f32
    %broadcast_in_dim3A_224 = vector.broadcast %jit3A_223 : f32 to vector<16xf32>
    %select_n3A_225 = arith.select %lt3A_4, %scan3A_198#13, %broadcast_in_dim3A_224 : vector<16xi1>, vector<16xf32>
    %add3A_226 = arith.addf %add3A_222, %select_n3A_225 : vector<16xf32>
    %jit3A_227 = arith.constant 0.000000e+00 : f32
    %broadcast_in_dim3A_228 = vector.broadcast %jit3A_227 : f32 to vector<16xf32>
    %select_n3A_229 = arith.select %lt3A_4, %scan3A_198#15, %broadcast_in_dim3A_228 : vector<16xi1>, vector<16xf32>
    %add3A_230 = arith.addf %add3A_226, %select_n3A_229 : vector<16xf32>
    %jit3A_231 = arith.constant 0.000000e+00 : f32
    %broadcast_in_dim3A_232 = vector.broadcast %jit3A_231 : f32 to vector<16xf32>
    %select_n3A_233 = arith.select %lt3A_4, %scan3A_198#17, %broadcast_in_dim3A_232 : vector<16xi1>, vector<16xf32>
    %add3A_234 = arith.addf %add3A_230, %select_n3A_233 : vector<16xf32>
    %jit3A_235 = arith.constant 0.000000e+00 : f32
    %broadcast_in_dim3A_236 = vector.broadcast %jit3A_235 : f32 to vector<16xf32>
    %select_n3A_237 = arith.select %lt3A_4, %scan3A_198#19, %broadcast_in_dim3A_236 : vector<16xi1>, vector<16xf32>
    %add3A_238 = arith.addf %add3A_234, %select_n3A_237 : vector<16xf32>
    %jit3A_239 = arith.constant 0.000000e+00 : f32
    %broadcast_in_dim3A_240 = vector.broadcast %jit3A_239 : f32 to vector<16xf32>
    %select_n3A_241 = arith.select %lt3A_4, %scan3A_198#21, %broadcast_in_dim3A_240 : vector<16xi1>, vector<16xf32>
    %add3A_242 = arith.addf %add3A_238, %select_n3A_241 : vector<16xf32>
    %jit3A_243 = arith.constant 0.000000e+00 : f32
    %broadcast_in_dim3A_244 = vector.broadcast %jit3A_243 : f32 to vector<16xf32>
    %select_n3A_245 = arith.select %lt3A_4, %scan3A_198#23, %broadcast_in_dim3A_244 : vector<16xi1>, vector<16xf32>
    %add3A_246 = arith.addf %add3A_242, %select_n3A_245 : vector<16xf32>
    %jit3A_247 = arith.constant 0.000000e+00 : f32
    %broadcast_in_dim3A_248 = vector.broadcast %jit3A_247 : f32 to vector<16xf32>
    %select_n3A_249 = arith.select %lt3A_4, %scan3A_198#25, %broadcast_in_dim3A_248 : vector<16xi1>, vector<16xf32>
    %add3A_250 = arith.addf %add3A_246, %select_n3A_249 : vector<16xf32>
    %jit3A_251 = arith.constant 0.000000e+00 : f32
    %broadcast_in_dim3A_252 = vector.broadcast %jit3A_251 : f32 to vector<16xf32>
    %select_n3A_253 = arith.select %lt3A_4, %scan3A_198#27, %broadcast_in_dim3A_252 : vector<16xi1>, vector<16xf32>
    %add3A_254 = arith.addf %add3A_250, %select_n3A_253 : vector<16xf32>
    %jit3A_255 = arith.constant 0.000000e+00 : f32
    %broadcast_in_dim3A_256 = vector.broadcast %jit3A_255 : f32 to vector<16xf32>
    %select_n3A_257 = arith.select %lt3A_4, %scan3A_198#29, %broadcast_in_dim3A_256 : vector<16xi1>, vector<16xf32>
    %add3A_258 = arith.addf %add3A_254, %select_n3A_257 : vector<16xf32>
    %jit3A_259 = arith.constant 0.000000e+00 : f32
    %broadcast_in_dim3A_260 = vector.broadcast %jit3A_259 : f32 to vector<16xf32>
    %select_n3A_261 = arith.select %lt3A_4, %scan3A_198#31, %broadcast_in_dim3A_260 : vector<16xi1>, vector<16xf32>
    %add3A_262 = arith.addf %add3A_258, %select_n3A_261 : vector<16xf32>
    %swap3A = arith.constant 0 : index
    %swap3A_263 = tpu.vector_load %arg7[%swap3A] {strides = array<i32>} : memref<16xf32, #tpu.memory_space<vmem>>, vector<16xf32>,
    tpu.vector_store %arg7[%swap3A], %add3A_262 {strides = array<i32>} : memref<16xf32, #tpu.memory_space<vmem>>, vector<16xf32>,
    "tpu.region"() ({
      %run_scoped3A = tpu.sem_alloc : memref<!tpu.dma_semaphore, #tpu.memory_space<semaphore_mem>>
      %dma_start3A = arith.constant 0 : i32
      %dma_start3A_264 = tpu.memref_slice %arg4[%add3A, %dma_start3A] : memref<32x16xf32, #tpu.memory_space<hbm>> -> memref<1x16xf32, #tpu.memory_space<hbm>>
      %dma_start3A_265 = tpu.memref_squeeze %dma_start3A_264 : memref<1x16xf32, #tpu.memory_space<hbm>> -> memref<16xf32, #tpu.memory_space<hbm>>
      %dma_start3A_266 = arith.constant 0 : i32
      %dma_start3A_267 = tpu.memref_slice %arg4[%add3A, %dma_start3A_266] : memref<32x16xf32, #tpu.memory_space<hbm>> -> memref<1x16xf32, #tpu.memory_space<hbm>>
      %dma_start3A_268 = tpu.memref_squeeze %dma_start3A_267 : memref<1x16xf32, #tpu.memory_space<hbm>> -> memref<16xf32, #tpu.memory_space<hbm>>
      tpu.enqueue_dma source(%arg7 : memref<16xf32, #tpu.memory_space<vmem>>) target(%dma_start3A_268 : memref<16xf32, #tpu.memory_space<hbm>>) target_semaphore(%run_scoped3A : memref<!tpu.dma_semaphore, #tpu.memory_space<semaphore_mem>>)
      %dma_wait3A = arith.constant 0 : i32
      %dma_wait3A_269 = tpu.memref_slice %arg4[%add3A, %dma_wait3A] : memref<32x16xf32, #tpu.memory_space<hbm>> -> memref<1x16xf32, #tpu.memory_space<hbm>>
      %dma_wait3A_270 = tpu.memref_squeeze %dma_wait3A_269 : memref<1x16xf32, #tpu.memory_space<hbm>> -> memref<16xf32, #tpu.memory_space<hbm>>
      %dma_wait3A_271 = arith.constant 0 : i32
      %dma_wait3A_272 = tpu.memref_slice %arg4[%add3A, %dma_wait3A_271] : memref<32x16xf32, #tpu.memory_space<hbm>> -> memref<1x16xf32, #tpu.memory_space<hbm>>
      %dma_wait3A_273 = tpu.memref_squeeze %dma_wait3A_272 : memref<1x16xf32, #tpu.memory_space<hbm>> -> memref<16xf32, #tpu.memory_space<hbm>>
      tpu.wait_dma2 semaphore(%run_scoped3A : memref<!tpu.dma_semaphore, #tpu.memory_space<semaphore_mem>>) src(%arg7 : memref<16xf32, #tpu.memory_space<vmem>>) dst(%dma_wait3A_273 : memref<16xf32, #tpu.memory_space<hbm>>)
      tpu.yield
    }) : () -> ()
    return
  }
}

module attributes {stable_mosaic.version = 14 : i64} {
  func.func @_tc_dense_body(%arg0: memref<512x256xf32, #tpu.memory_space<vmem>>, %arg1: memref<512x1xi32, #tpu.memory_space<vmem>>, %arg2: memref<512x256xf32, #tpu.memory_space<vmem>>, %arg3: memref<512x128xf32, #tpu.memory_space<vmem>>, %arg4: memref<1xf32, #tpu.memory_space<vmem>>, %arg5: memref<1xf32, #tpu.memory_space<vmem>>, %arg6: memref<512x512xf32, #tpu.memory_space<vmem>>, %arg7: memref<512x512xf32, #tpu.memory_space<vmem>>) attributes {dimension_semantics = [], scalar_prefetch = 0 : i64, scratch_operands = 0 : i64, tpu.core_type = #tpu.core_type<tc>} {
    %get3A = arith.constant 0 : index
    %get3A_0 = arith.constant 0 : index
    %get3A_1 = vector.load %arg0[%get3A, %get3A_0] : memref<512x256xf32, #tpu.memory_space<vmem>>, vector<512x256xf32>
    %reduce_max3A = arith.constant dense<0xFF800000> : vector<512xf32>
    %reduce_max3A_2 = vector.multi_reduction <maximumf>, %get3A_1, %reduce_max3A [1] : vector<512x256xf32> to vector<512xf32>
    %broadcast_in_dim3A = vector.shape_cast %reduce_max3A_2 : vector<512xf32> to vector<512x1xf32>
    %sub3A = vector.broadcast %broadcast_in_dim3A : vector<512x1xf32> to vector<512x256xf32>
    %sub3A_3 = arith.subf %get3A_1, %sub3A : vector<512x256xf32>
    %exp3A = math.exp %sub3A_3 : vector<512x256xf32>
    %reduce_sum3A = arith.constant dense<0.000000e+00> : vector<512xf32>
    %reduce_sum3A_4 = vector.multi_reduction <add>, %exp3A, %reduce_sum3A [1] : vector<512x256xf32> to vector<512xf32>
    %broadcast_in_dim3A_5 = vector.shape_cast %reduce_sum3A_4 : vector<512xf32> to vector<512x1xf32>
    %log3A = math.log %broadcast_in_dim3A_5 : vector<512x1xf32>
    %sub3A_6 = vector.broadcast %log3A : vector<512x1xf32> to vector<512x256xf32>
    %sub3A_7 = arith.subf %sub3A_3, %sub3A_6 : vector<512x256xf32>
    %iota3A = tpu.iota {dimensions = array<i32: 1>} : vector<512x256xi32>
    %get3A_8 = arith.constant 0 : index
    %get3A_9 = arith.constant 0 : index
    %get3A_10 = vector.load %arg1[%get3A_8, %get3A_9] : memref<512x1xi32, #tpu.memory_space<vmem>>, vector<512x1xi32>
    %eq3A = vector.broadcast %get3A_10 : vector<512x1xi32> to vector<512x256xi32>
    %eq3A_11 = arith.cmpi eq, %iota3A, %eq3A : vector<512x256xi32>
    %jit3A = arith.constant 0.000000e+00 : f32
    %broadcast_in_dim3A_12 = vector.broadcast %jit3A : f32 to vector<512x256xf32>
    %select_n3A = arith.select %eq3A_11, %sub3A_7, %broadcast_in_dim3A_12 : vector<512x256xi1>, vector<512x256xf32>
    %reduce_sum3A_13 = arith.constant dense<0.000000e+00> : vector<512xf32>
    %reduce_sum3A_14 = vector.multi_reduction <add>, %select_n3A, %reduce_sum3A_13 [1] : vector<512x256xf32> to vector<512xf32>
    %neg3A = arith.constant 0.000000e+00 : f32
    %neg3A_15 = vector.broadcast %neg3A : f32 to vector<512xf32>
    %neg3A_16 = arith.subf %neg3A_15, %reduce_sum3A_14 : vector<512xf32>
    %reduce_sum3A_17 = arith.constant dense<0.000000e+00> : vector<512xf32>
    %reduce_sum3A_18 = vector.multi_reduction <add>, %sub3A_7, %reduce_sum3A_17 [1] : vector<512x256xf32> to vector<512xf32>
    %neg3A_19 = arith.constant 0.000000e+00 : f32
    %neg3A_20 = vector.broadcast %neg3A_19 : f32 to vector<512xf32>
    %neg3A_21 = arith.subf %neg3A_20, %reduce_sum3A_18 : vector<512xf32>
    %mul3A = arith.constant 3.906250e-03 : f32
    %mul3A_22 = vector.broadcast %mul3A : f32 to vector<512xf32>
    %mul3A_23 = arith.mulf %neg3A_21, %mul3A_22 : vector<512xf32>
    %mul3A_24 = arith.constant 0.899999976 : f32
    %mul3A_25 = vector.broadcast %mul3A_24 : f32 to vector<512xf32>
    %mul3A_26 = arith.mulf %mul3A_25, %neg3A_16 : vector<512xf32>
    %mul3A_27 = arith.constant 1.000000e-01 : f32
    %mul3A_28 = vector.broadcast %mul3A_27 : f32 to vector<512xf32>
    %mul3A_29 = arith.mulf %mul3A_28, %mul3A_23 : vector<512xf32>
    %add3A = arith.addf %mul3A_26, %mul3A_29 : vector<512xf32>
    %reduce_sum3A_30 = vector.shape_cast %add3A : vector<512xf32> to vector<1x512xf32>
    %reduce_sum3A_31 = arith.constant dense<0.000000e+00> : vector<1xf32>
    %reduce_sum3A_32 = vector.multi_reduction <add>, %reduce_sum3A_30, %reduce_sum3A_31 [1] : vector<1x512xf32> to vector<1xf32>
    %reduce_sum3A_33 = vector.shape_cast %reduce_sum3A_32 : vector<1xf32> to vector<1x1xf32>
    %reduce_sum3A_34 = vector.extract %reduce_sum3A_33[0, 0] : f32 from vector<1x1xf32>
    %mul3A_35 = arith.constant 0.001953125 : f32
    %mul3A_36 = arith.mulf %reduce_sum3A_34, %mul3A_35 : f32
    %reshape3A = vector.broadcast %mul3A_36 : f32 to vector<1xf32>
    %swap3A = arith.constant 0 : index
    %swap3A_37 = vector.load %arg4[%swap3A] : memref<1xf32, #tpu.memory_space<vmem>>, vector<1xf32>
    tpu.vector_store %arg4[%swap3A], %reshape3A {strides = array<i32>} : memref<1xf32, #tpu.memory_space<vmem>>, vector<1xf32>,
    %broadcast_in_dim3A_38 = arith.constant 0.000000e+00 : f32
    %broadcast_in_dim3A_39 = vector.broadcast %broadcast_in_dim3A_38 : f32 to vector<1xf32>
    %swap3A_40 = arith.constant 0 : index
    %swap3A_41 = vector.load %arg5[%swap3A_40] : memref<1xf32, #tpu.memory_space<vmem>>, vector<1xf32>
    tpu.vector_store %arg5[%swap3A_40], %broadcast_in_dim3A_39 {strides = array<i32>} : memref<1xf32, #tpu.memory_space<vmem>>, vector<1xf32>,
    %get3A_42 = arith.constant 0 : index
    %get3A_43 = arith.constant 0 : index
    %get3A_44 = vector.load %arg3[%get3A_42, %get3A_43] : memref<512x128xf32, #tpu.memory_space<vmem>>, vector<512x128xf32>
    %transpose3A = tpu.transpose %get3A_44, [1, 0] : vector<512x128xf32> -> vector<128x512xf32>
    %dot_general3A = arith.constant dense<0.000000e+00> : vector<512x512xf32>
    %dot_general3A_45 = tpu.matmul %get3A_44, %transpose3A, %dot_general3A {dimension_numbers = #tpu.dot_dimension_numbers<[1], [0], [0], [1], [0, 0, 1, 1], [], []>, transpose_lhs_hint = false} : vector<512x128xf32>, vector<128x512xf32>, vector<512x512xf32> -> vector<512x512xf32>
    %mul3A_46 = arith.mulf %get3A_44, %get3A_44 : vector<512x128xf32>
    %reduce_sum3A_47 = arith.constant dense<0.000000e+00> : vector<512xf32>
    %reduce_sum3A_48 = vector.multi_reduction <add>, %mul3A_46, %reduce_sum3A_47 [1] : vector<512x128xf32> to vector<512xf32>
    %broadcast_in_dim3A_49 = vector.shape_cast %reduce_sum3A_48 : vector<512xf32> to vector<512x1xf32>
    %broadcast_in_dim3A_50 = vector.shape_cast %reduce_sum3A_48 : vector<512xf32> to vector<1x512xf32>
    %add3A_51 = vector.broadcast %broadcast_in_dim3A_49 : vector<512x1xf32> to vector<512x512xf32>
    %add3A_52 = vector.broadcast %broadcast_in_dim3A_50 : vector<1x512xf32> to vector<512x512xf32>
    %add3A_53 = arith.addf %add3A_51, %add3A_52 : vector<512x512xf32>
    %mul3A_54 = arith.constant 2.000000e+00 : f32
    %mul3A_55 = vector.broadcast %mul3A_54 : f32 to vector<512x512xf32>
    %mul3A_56 = arith.mulf %mul3A_55, %dot_general3A_45 : vector<512x512xf32>
    %sub3A_57 = arith.subf %add3A_53, %mul3A_56 : vector<512x512xf32>
    %max3A = arith.constant 0.000000e+00 : f32
    %max3A_58 = vector.broadcast %max3A : f32 to vector<512x512xf32>
    %max3A_59 = arith.maximumf %sub3A_57, %max3A_58 : vector<512x512xf32>
    %swap3A_60 = arith.constant 0 : index
    %swap3A_61 = arith.constant 0 : index
    %swap3A_62 = vector.load %arg6[%swap3A_60, %swap3A_61] : memref<512x512xf32, #tpu.memory_space<vmem>>, vector<512x512xf32>
    tpu.vector_store %arg6[%swap3A_60, %swap3A_61], %max3A_59 {strides = array<i32>} : memref<512x512xf32, #tpu.memory_space<vmem>>, vector<512x512xf32>,
    %sqrt3A = math.sqrt %max3A_59 : vector<512x512xf32>
    %add3A_63 = arith.constant 1.000000e+00 : f32
    %add3A_64 = vector.broadcast %add3A_63 : f32 to vector<512x512xf32>
    %add3A_65 = arith.addf %add3A_64, %sqrt3A : vector<512x512xf32>
    %div3A = arith.constant 1.000000e+00 : f32
    %div3A_66 = vector.broadcast %div3A : f32 to vector<512x512xf32>
    %div3A_67 = arith.divf %div3A_66, %add3A_65 : vector<512x512xf32>
    %div3A_68 = arith.constant 1.000000e+00 : f32
    %div3A_69 = vector.broadcast %div3A_68 : f32 to vector<512x1xf32>
    %div3A_70 = arith.divf %div3A_69, %broadcast_in_dim3A_5 : vector<512x1xf32>
    %mul3A_71 = vector.broadcast %div3A_70 : vector<512x1xf32> to vector<512x256xf32>
    %mul3A_72 = arith.mulf %exp3A, %mul3A_71 : vector<512x256xf32>
    %get3A_73 = arith.constant 0 : index
    %get3A_74 = arith.constant 0 : index
    %get3A_75 = vector.load %arg2[%get3A_73, %get3A_74] : memref<512x256xf32, #tpu.memory_space<vmem>>, vector<512x256xf32>
    %reduce_max3A_76 = arith.constant dense<0xFF800000> : vector<512xf32>
    %reduce_max3A_77 = vector.multi_reduction <maximumf>, %get3A_75, %reduce_max3A_76 [1] : vector<512x256xf32> to vector<512xf32>
    %broadcast_in_dim3A_78 = vector.shape_cast %reduce_max3A_77 : vector<512xf32> to vector<512x1xf32>
    %sub3A_79 = vector.broadcast %broadcast_in_dim3A_78 : vector<512x1xf32> to vector<512x256xf32>
    %sub3A_80 = arith.subf %get3A_75, %sub3A_79 : vector<512x256xf32>
    %exp3A_81 = math.exp %sub3A_80 : vector<512x256xf32>
    %reduce_sum3A_82 = arith.constant dense<0.000000e+00> : vector<512xf32>
    %reduce_sum3A_83 = vector.multi_reduction <add>, %exp3A_81, %reduce_sum3A_82 [1] : vector<512x256xf32> to vector<512xf32>
    %broadcast_in_dim3A_84 = vector.shape_cast %reduce_sum3A_83 : vector<512xf32> to vector<512x1xf32>
    %div3A_85 = arith.constant 1.000000e+00 : f32
    %div3A_86 = vector.broadcast %div3A_85 : f32 to vector<512x1xf32>
    %div3A_87 = arith.divf %div3A_86, %broadcast_in_dim3A_84 : vector<512x1xf32>
    %mul3A_88 = vector.broadcast %div3A_87 : vector<512x1xf32> to vector<512x256xf32>
    %mul3A_89 = arith.mulf %exp3A_81, %mul3A_88 : vector<512x256xf32>
    %transpose3A_90 = tpu.transpose %mul3A_89, [1, 0] : vector<512x256xf32> -> vector<256x512xf32>
    %dot_general3A_91 = arith.constant dense<0.000000e+00> : vector<512x512xf32>
    %dot_general3A_92 = tpu.matmul %mul3A_72, %transpose3A_90, %dot_general3A_91 {dimension_numbers = #tpu.dot_dimension_numbers<[1], [0], [0], [1], [0, 0, 1, 1], [], []>, transpose_lhs_hint = false} : vector<512x256xf32>, vector<256x512xf32>, vector<512x512xf32> -> vector<512x512xf32>
    %mul3A_93 = arith.mulf %mul3A_72, %mul3A_72 : vector<512x256xf32>
    %reduce_sum3A_94 = arith.constant dense<0.000000e+00> : vector<512xf32>
    %reduce_sum3A_95 = vector.multi_reduction <add>, %mul3A_93, %reduce_sum3A_94 [1] : vector<512x256xf32> to vector<512xf32>
    %mul3A_96 = arith.mulf %mul3A_89, %mul3A_89 : vector<512x256xf32>
    %reduce_sum3A_97 = arith.constant dense<0.000000e+00> : vector<512xf32>
    %reduce_sum3A_98 = vector.multi_reduction <add>, %mul3A_96, %reduce_sum3A_97 [1] : vector<512x256xf32> to vector<512xf32>
    %broadcast_in_dim3A_99 = vector.shape_cast %reduce_sum3A_95 : vector<512xf32> to vector<512x1xf32>
    %broadcast_in_dim3A_100 = vector.shape_cast %reduce_sum3A_98 : vector<512xf32> to vector<1x512xf32>
    %add3A_101 = vector.broadcast %broadcast_in_dim3A_99 : vector<512x1xf32> to vector<512x512xf32>
    %add3A_102 = vector.broadcast %broadcast_in_dim3A_100 : vector<1x512xf32> to vector<512x512xf32>
    %add3A_103 = arith.addf %add3A_101, %add3A_102 : vector<512x512xf32>
    %mul3A_104 = arith.constant 2.000000e+00 : f32
    %mul3A_105 = vector.broadcast %mul3A_104 : f32 to vector<512x512xf32>
    %mul3A_106 = arith.mulf %mul3A_105, %dot_general3A_92 : vector<512x512xf32>
    %sub3A_107 = arith.subf %add3A_103, %mul3A_106 : vector<512x512xf32>
    %mul3A_108 = arith.constant 3.906250e-03 : f32
    %mul3A_109 = vector.broadcast %mul3A_108 : f32 to vector<512x512xf32>
    %mul3A_110 = arith.mulf %sub3A_107, %mul3A_109 : vector<512x512xf32>
    %mul3A_111 = arith.mulf %div3A_67, %mul3A_110 : vector<512x512xf32>
    %swap3A_112 = arith.constant 0 : index
    %swap3A_113 = arith.constant 0 : index
    %swap3A_114 = vector.load %arg7[%swap3A_112, %swap3A_113] : memref<512x512xf32, #tpu.memory_space<vmem>>, vector<512x512xf32>
    tpu.vector_store %arg7[%swap3A_112, %swap3A_113], %mul3A_111 {strides = array<i32>} : memref<512x512xf32, #tpu.memory_space<vmem>>, vector<512x512xf32>,
    return
  }
}

</mosaic_0001>

<sc_bundles>
// kernel: kernel.4.cloned.1.call-start
scs
__scs_entry_jumppad:
0x0: {  	(pc) =	sbr.rel $0x88, $3  }
0x1: {  	(tag) =	ssettag $0x0;
	lr =	simm.s32 $0x1  }
0x2: {  	[smem:$0x3F9D] =	sst lr;
	_ =	strace $0xD0000000  }
0x3: {  	_ = 	snop  }
0x4: {  	_ = 	snop  }
0x5: {  	_ = 	snop  }
0x6: {  	_ = 	snop  }
0x7: {  	_ = 	snop  }
__scs_overlays_trampoline_lowered:
0x8: {  	[smem:$0x3FAC] =	sst s0  }
0x9: {  	[smem:$0x3FAD] =	sst s1  }
0xa: {  	[smem:$0x3FAE] =	sst s2  }
0xb: {  	[smem:$0x3FAF] =	sst s3  }
0xc: {  	[smem:$0x3FB0] =	sst s4  }
0xd: {  	[smem:$0x3FB1] =	sst s5  }
0xe: {  	[smem:$0x3FB2] =	sst s6  }
0xf: {  	[smem:$0x3FB3] =	sst s7  }
0x10: {  	[smem:$0x3FB4] =	sst s8  }
0x11: {  	[smem:$0x3FB5] =	sst s9;
	s0 =	simm.s32 @!p0 $0x0  }
0x12: {  	s1 =	sld [smem:$0x3F9B];
	s0 =	simm.s32 @p0 $0x1  }
0x13: {  	[smem:$0x3FB6] =	sst s0;
	s0 =	simm.s32 @!p1 $0x0  }
0x14: {  	s2 =	sld [smem:$0x3F9A];
	s0 =	simm.s32 @p1 $0x1  }
0x15: {  	[smem:$0x3FB7] =	sst s0;
	s0 =	simm.s32 @!p2 $0x0  }
0x16: {  	s3 =	sld [smem:$0x3FDB];
	s0 =	simm.s32 @p2 $0x1  }
0x17: {  	s4 =	simm.s32 $0x1BF5;
	[smem:$0x3FB9] =	sst s0  }
0x18: {  	s0 =	sld [smem:$0x3F9C];
	_ =	swait.ge [sflag:s4], $0x0  }
0x19: {  	s7 =	sld [smem:$0x3F9D]  }
0x1a: {  	s8 =	sadd.s32 $0xFFFFE003, lr  }
0x1b: {  	s9 =	sadd.s32 $0xFFFFFEF7, lr;
	s5 =	simm.s32 $0xFFFFFFFF;
	p2 =	slt.u32 s8, $0xFFFFF086  }
0x1c: {  	p1 =	slt.u32 s9, $0xF7A;
	s5 =	simm.s32 @!p2 $0x0  }
0x1d: {  	s5 =	simm.s32 @p1 $0x1;
	p0 =	seq.s32 s7, s2  }
0x1e: {  	s7 =	smul.u32 @!p0 $0xF7A, s2;
	p2 =	seq.s32 @!p0 s5, $0x0  }
0x1f: {  	s9 =	smul.u32 $0xF7A, s1;
	s8 =	simm.s32 @!p0 $0x1BF5;
	p2 =	por !p2, p0  }
0x20: {  	[sflag:s8] =	ssyncset.s32 @!p0 $0xFFFFF086;
	s6 =	sadd.s32 @!p0 s3, s7;
	s7 =	simm.s32 @!p0 $0x108  }
0x21: {  	s3 =	sadd.s32 s3, s9;
	s6 =	sadd.s32 @!p0 $0x88, s6;
	s7 =	simm.s32 @p2 $0x1082  }
0x22: {  	[simem:s7], [sflag:s8] =	dma.local @!p0 [hbm:s6], $0xF7A  }
0x23: {  	s9 =	sor.u32 $0xD0000000, s2;
	s6 =	simm.s32 $0x108;
	_ =	swait.ge @!p0 [sflag:s8], $0x0  }
0x24: {  	s3 =	sadd.s32 $0x88, s3;
	s6 =	simm.s32 @!p1 $0x1082;
	[sflag:s4] =	ssyncset.s32 $0xFFFFF086  }
0x25: {  	[simem:s6], [sflag:s4] =	dma.local [hbm:s3], $0xF7A  }
0x26: {  	[smem:$0x3F9D] =	sst s1;
	(tag) =	ssettag s2;
	_ =	strace s9  }
0x27: {  	s1 =	sld [smem:$0x3FAD]  }
0x28: {  	s2 =	sld [smem:$0x3FAE]  }
0x29: {  	s4 =	sld [smem:$0x3FB0]  }
0x2a: {  	p0 =	seq.s32 s5, $0x0;
	s5 =	sld [smem:$0x3FB1]  }
0x2b: {  	s6 =	sld [smem:$0x3FB2]  }
0x2c: {  	s7 =	sld [smem:$0x3FB3]  }
0x2d: {  	s3 =	simm.s32 $0x108;
	s8 =	sld [smem:$0x3FB4]  }
0x2e: {  	s3 =	simm.s32 @!p0 $0x1082;
	s9 =	sld [smem:$0x3FB5]  }
0x2f: {  	lr =	sadd.s32 s0, s3;
	s0 =	sld [smem:$0x3FAC]  }
0x30: {  	s3 =	sld [smem:$0x3FAF]  }
0x31: {  	[smem:$0x3FB8] =	sst s10  }
0x32: {  	s10 =	sld [smem:$0x3FB6];
	_ =	sdelay $0x3  }
0x33: {  	p0 =	seq.s32 s10, $0x1;
	s10 =	sld [smem:$0x3FB8];
	_ =	sdelay $0x3  }
0x34: {  	[smem:$0x3FB8] =	sst s10  }
0x35: {  	s10 =	sld [smem:$0x3FB7];
	_ =	sdelay $0x3  }
0x36: {  	p1 =	seq.s32 s10, $0x1;
	s10 =	sld [smem:$0x3FB8];
	_ =	sdelay $0x3  }
0x37: {  	[smem:$0x3FB8] =	sst s10  }
0x38: {  	s10 =	sld [smem:$0x3FB9]  }
0x39: {  	_ = 	snop;
	(pc) =	sbr.ind lr, $3  }
0x3a: {  	_ = 	snop  }
0x3b: {  	_ = 	snop  }
0x3c: {  	p2 =	seq.s32 s10, $0x1;
	s10 =	sld [smem:$0x3FB8]  }
0x3d: {  	_ =	shalt  }
0x3e: {  	_ =	shalt  }
0x3f: {  	_ =	shalt  }
0x40: {  	_ =	shalt  }
0x41: {  	_ =	shalt  }
0x42: {  	_ =	shalt  }
0x43: {  	_ =	shalt  }
0x44: {  	_ =	shalt  }
0x45: {  	_ =	shalt  }
0x46: {  	_ =	shalt  }
0x47: {  	_ =	shalt  }
0x48: {  	_ =	shalt  }
0x49: {  	_ =	shalt  }
0x4a: {  	_ =	shalt  }
0x4b: {  	_ =	shalt  }
0x4c: {  	_ =	shalt  }
0x4d: {  	_ =	shalt  }
0x4e: {  	_ =	shalt  }
0x4f: {  	_ =	shalt  }
0x50: {  	_ =	shalt  }
0x51: {  	_ =	shalt  }
0x52: {  	_ =	shalt  }
0x53: {  	_ =	shalt  }
0x54: {  	_ =	shalt  }
0x55: {  	_ =	shalt  }
0x56: {  	_ =	shalt  }
0x57: {  	_ =	shalt  }
0x58: {  	_ =	shalt  }
0x59: {  	_ =	shalt  }
0x5a: {  	_ =	shalt  }
0x5b: {  	_ =	shalt  }
0x5c: {  	_ =	shalt  }
0x5d: {  	_ =	shalt  }
0x5e: {  	_ =	shalt  }
0x5f: {  	_ =	shalt  }
0x60: {  	_ =	shalt  }
0x61: {  	_ =	shalt  }
0x62: {  	_ =	shalt  }
0x63: {  	_ =	shalt  }
0x64: {  	_ =	shalt  }
0x65: {  	_ =	shalt  }
0x66: {  	_ =	shalt  }
0x67: {  	_ =	shalt  }
0x68: {  	_ =	shalt  }
0x69: {  	_ =	shalt  }
0x6a: {  	_ =	shalt  }
0x6b: {  	_ =	shalt  }
0x6c: {  	_ =	shalt  }
0x6d: {  	_ =	shalt  }
0x6e: {  	_ =	shalt  }
0x6f: {  	_ =	shalt  }
0x70: {  	_ =	shalt  }
0x71: {  	_ =	shalt  }
0x72: {  	_ =	shalt  }
0x73: {  	_ =	shalt  }
0x74: {  	_ =	shalt  }
0x75: {  	_ =	shalt  }
0x76: {  	_ =	shalt  }
0x77: {  	_ =	shalt  }
0x78: {  	_ =	shalt  }
0x79: {  	_ =	shalt  }
0x7a: {  	_ =	shalt  }
0x7b: {  	_ =	shalt  }
0x7c: {  	_ =	shalt  }
0x7d: {  	_ =	shalt  }
0x7e: {  	_ =	shalt  }
0x7f: {  	_ =	shalt  }
0x80: {  	_ =	shalt  }
0x81: {  	_ =	shalt  }
0x82: {  	_ =	shalt  }
0x83: {  	_ =	shalt  }
0x84: {  	_ =	shalt  }
0x85: {  	_ =	shalt  }
0x86: {  	_ =	shalt  }
0x87: {  	_ =	shalt  }
.Lfunc_end0:
.L_simem_size_0:
called_computation_lowered:
.L_overlay_start_0:
0x88: {  	s2 =	sld [smem:$0x3FD9]  }
0x89: {  	s3 =	sld [smem:$0x3FFE];
	_ =	sdelay $0x1  }
0x8a: {  	s1 =	srdreg.scid  }
0x8b: {  	s0 =	sand.u32 $0x1, s1  }
0x8c: {  	s16 =	sshll.u32 s0, $0xA;
	s2 =	sadd.s32 s3, s2  }
0x8d: {  	s2 =	sadd.s32 s2, s16  }
0x8e: {  	[smem:$0x3FC4] =	sst s2  }
0x8f: {  	_ = 	snop  }
0x90: {  	(tm) =	ssettm $0x1  }
0x91: {  	s17 =	sld [smem:$0x3FFB];
	_ =	sdelay $0x3  }
0x92: {  	_ =	strace s17  }
0x93: {  	s2 =	sld [smem:$0x3FFC];
	_ =	sdelay $0x3  }
0x94: {  	_ =	strace s2  }
0x95: {  	s2 =	sld [smem:$0x3FFD];
	_ =	sdelay $0x3  }
0x96: {  	_ =	strace s2  }
0x97: {  	_ =	strace $0x8FFFFFFF  }
0x98: {  	s18 =	sld [smem:$0x3FDB];
	_ =	sdelay $0x1  }
0x99: {  	s19 =	simm.s32 $_scs_section_size  }
0x9a: {  	s4 =	simm.s32 $_size__tile_overlayer_lowered;
	s5 =	simm.s32 $_tile_overlayer_lowered  }
0x9b: {  	s22 =	simm.s32 $0x1BFF;
	s21 =	sshll.u32 s5, $0x1;
	s2 =	sadd.s32 s19, s18  }
0x9c: {  	s6 =	simm.s32 $0x0;
	s20 =	sshll.u32 s4, $0x1;
	s4 =	sadd.s32 s21, s2  }
0x9d: {  	[timem:s6], [sflag:s22] =	dma.local [hbm:s4], s20  }
0x9e: {  	_ =	swait.ge [sflag:s22], s20  }
0x9f: {  	s3 =	ssub.s32 $0x0, s20;
	[sflag:s22] =	ssyncset.done $0x0  }
0xa0: {  	[sflag:s22] =	ssyncadd.s32 s3;
	_ =	sdelay $0x1  }
0xa1: {  	s23 =	simm.s32 $0x1B8B  }
0xa2: {  	_ =	swait.ge [sflag:s23], $0x1  }
0xa3: {  	[sflag:s23] =	ssyncset.done $0x0  }
0xa4: {  	s25 =	simm.s32 $0x1B8E;
	s24 =	sld [smem:$0x3FFE];
	[sflag:s23] =	ssyncadd.s32 $0xFFFFFFFF  }
0xa5: {  	s26 =	simm.s32 $execute0_lowered;
	[smem:$0x3FD2] =	sst s25  }
0xa6: {  	s4 =	sshll.u32 s26, $0x1;
	_ =	strace $0x80000046;
	[dreg:$0x1] =	wrdreg $0xFFFFFFFF  }
0xa7: {  	s28 =	simm.s32 $_size_execute0_lowered;
	s2 =	sadd.s32 s2, s4;
	[dreg:$0x0] =	wrdreg $0x0  }
0xa8: {  	s4 =	sshll.u32 s28, $0x1;
	[dreg:$0x2] =	wrdreg s2  }
0xa9: {  	[dreg:$0x3] =	wrdreg s4  }
0xaa: {  	[dreg:$0x4] =	wrdreg $0xC0  }
0xab: {  	_ =	task [dreg:s6], $0x5FFFF  }
0xac: {  	[dreg:$0x1] =	wrdreg $0xFFFFFFFF  }
0xad: {  	[dreg:$0x0] =	wrdreg $0x60  }
0xae: {  	[dreg:$0x2] =	wrdreg s24  }
0xaf: {  	[dreg:$0x3] =	wrdreg $0x9  }
0xb0: {  	_ =	task.clear_ibuf [dreg:s6], $0x4FFFF;
	_ =	strace $0x90000046  }
0xb1: {  	s29 =	simm.s32 $0x9;
	_ =	strace $0x80000048  }
0xb2: {  	_ =	swait.ge [sflag:s29], $0x1  }
0xb3: {  	[sflag:s29] =	ssyncadd.s32 $0xFFFFFFFF  }
0xb4: {  	_ =	strace $0x90000048  }
0xb5: {  	_ =	sfence  }
0xb6: {  	s30 =	sld [smem:$0x0];
	_ =	sdelay $0x2  }
0xb7: {  	s31 =	sshll.u32 s1, $0xD;
	s1 =	sshrl.u32 s1, $0x2  }
0xb8: {  	s3 =	sand.u32 $0x4000, s31;
	s1 =	sadd.s32 s1, s30  }
0xb9: {  	s0 =	sor.u32 s3, s0;
	s1 =	sshll.u32 s1, $0x11  }
0xba: {  	s0 =	sor.u32 s1, s0  }
0xbb: {  	s0 =	sadd.s32 $0x8F2B, s0  }
0xbc: {  	[sflag:s0] =	ssyncadd.remote.s32 $0x1  }
0xbd: {  	_ =	sfence.sel $0xFFFF  }
0xbe: {  	[dreg:$0x0] =	wrdreg $0xFFFFFFFF;
	(pc) =	sbr.abs _section_cstart, $3  }
0xbf: {  	[dreg:$0x1] =	wrdreg $0xFFFFFFFF  }
0xc0: {  	_ =	task.clear_ibuf [dreg:s6], $0x2FFFF;
	_ =	strace $0x9FFFFFFF  }
0xc1: {  	(tm) =	ssettm $0x7FFFFFFF  }
tec
execute0_lowered:
.L_overlay_start_1:
0x0: {  	(tag) =	ssettag $0x1  }
0x1: {  	s3 =	rddreg [dreg:$0x0]  }
0x2: {  	s0 =	rddreg [dreg:$0x1];
	s2 =	simm.s32 $0x0;
	s4 =	srdreg.scid  }
0x3: {  	s1 =	stileid.u32;
	s8 =	simm.s32 $0x2000;
	s9 =	simm.s32 $0x4000  }
0x4: {  	[smem:$0x7FF] =	sst s2;
	s4 =	sand.u32 $0x1, s4;
	s5 =	sshll.u32 s1, $0x1  }
0x5: {  	s10 =	simm.s32 $0x0;
	_ =	strace $0x80000047;
	s5 =	sor.u32 s4, s5  }
0x6: {  	v0 =	vlaneseq.u32;
	s4 =	ssub.s32 $0x2, s4;
	s6 =	sshll.u32 s5, $0xA;
	s5 =	sshll.u32 s5, $0x4  }
0x7: {  	v0 =	vmul.u32 $0xFFFFFFFF, v0;
	s31 =	sshrl.u32 s4, $0x1;
	s6 =	sadd.s32 s6, s3;
	s5 =	sadd.s32 s5, s3  }
0x8: {  	s7 =	ssub.s32 s4, s31;
	s3 =	sadd.s32 $0xE00, s6;
	s4 =	sadd.s32 $0x8E00, s6  }
0x9: {  	v0 =	vadd.s32 $0xF, v0;
	s5 =	sadd.s32 $0x10E00, s5;
	s6 =	smax.u32 s7, $0x1;
	s7 =	simm.s32 $0x1  }
.LBB2_1:
0xa: {  	[tilespmem:s2], [sflag:$0x1] =	stream.linear.gather [hbm4b:s3+s2], $0x2000, $0x38;
	[tilespmem:$0x4080] =	vst v63  }
0xb: {  	_ =	swait.ge [sflag:s7], $0x2000  }
0xc: {  	[sflag:s7] =	ssyncset.done $0x0  }
0xd: {  	[sflag:s7] =	ssyncadd.s32 $0xFFFFE000  }
0xe: {  	[tilespmem:s8], [sflag:$0x1] =	stream.linear.gather [hbm4b:s4+s2], $0x2000, $0x38;
	[tilespmem:$0x4080] =	vst v63  }
0xf: {  	_ =	swait.ge [sflag:s7], $0x2000  }
0x10: {  	[sflag:s7] =	ssyncset.done $0x0  }
0x11: {  	[sflag:s7] =	ssyncadd.s32 $0xFFFFE000  }
0x12: {  	v1 =	vld [tilespmem:$0x0]  }
0x13: {  	v2 =	vld [tilespmem:$0x2000]  }
0x14: {  	v3 =	vld [tilespmem:$0x80]  }
0x15: {  	v4 =	vld [tilespmem:$0x2080]  }
0x16: {  	v5 =	vld [tilespmem:$0x100]  }
0x17: {  	v6 =	vld [tilespmem:$0x2100]  }
0x18: {  	v7 =	vld [tilespmem:$0x180]  }
0x19: {  	v8 =	vld [tilespmem:$0x2180]  }
0x1a: {  	v9 =	vld [tilespmem:$0x200]  }
0x1b: {  	v10 =	vld [tilespmem:$0x2200]  }
0x1c: {  	v11 =	vld [tilespmem:$0x280]  }
0x1d: {  	v12 =	vld [tilespmem:$0x2280]  }
0x1e: {  	v13 =	vld [tilespmem:$0x300]  }
0x1f: {  	v14 =	vld [tilespmem:$0x2300]  }
0x20: {  	v15 =	vld [tilespmem:$0x380]  }
0x21: {  	v16 =	vld [tilespmem:$0x2380]  }
0x22: {  	v17 =	vld [tilespmem:$0x1000]  }
0x23: {  	v18 =	vld [tilespmem:$0x3000]  }
0x24: {  	v19 =	vld [tilespmem:$0x1080]  }
0x25: {  	v20 =	vld [tilespmem:$0x3080]  }
0x26: {  	v21 =	vld [tilespmem:$0x1100]  }
0x27: {  	v22 =	vld [tilespmem:$0x3100]  }
0x28: {  	v23 =	vld [tilespmem:$0x1180]  }
0x29: {  	v24 =	vld [tilespmem:$0x3180]  }
0x2a: {  	s11 =	simm.s32 $0x10;
	s12 =	simm.s32 $0x80;
	v25 =	vld [tilespmem:$0x1200]  }
0x2b: {  	s13 =	sor.u32 s11, s12;
	s15 =	sand.u32 $0xC00, s12;
	s11 =	sand.u32 $0x70, s11;
	v26 =	vld [tilespmem:$0x3200]  }
0x2c: {  	s11 =	sor.u32 s11, s15;
	v27 =	vld [tilespmem:$0x1280]  }
0x2d: {  	s12 =	sand.u32 $0xFFFFFC00, s12;
	v29 =	vld [tilespmem:s11+$0x100]  }
0x2e: {  	s12 =	sadd.s32 $0x20, s12;
	v30 =	vld [tilespmem:s11+$0x0]  }
0x2f: {  	s12 =	sadd.s32 $0xFFFFFFF0, s12;
	v31 =	vld [tilespmem:s11+$0x3200]  }
0x30: {  	s24 =	sor.u32 $0x1180, s12;
	s12 =	sor.u32 $0x180, s12;
	v32 =	vld [tilespmem:s11+$0x2280];
	(xrf1) =	vsort.ascd.msk.f32 $0xffff, v1, v2  }
0x31: {  	v33 =	vld [tilespmem:s12+$0x0];
	(xrf1) =	vsort.ascd.msk.f32 $0xffff, v3, v4  }
0x32: {  	v36 =	vld [tilespmem:s11+$0x1200];
	(xrf1) =	vsort.ascd.msk.f32 $0xffff, v5, v6  }
0x33: {  	v1 =	vld [tilespmem:$0x3280];
	(xrf1) =	vsort.ascd.msk.f32 $0xffff, v7, v8  }
0x34: {  	v2 =	vld [tilespmem:$0x1300];
	(xrf1) =	vsort.ascd.msk.f32 $0xffff, v9, v10  }
0x35: {  	v3 =	vld [tilespmem:$0x3300];
	(xrf1) =	vsort.ascd.msk.f32 $0xffff, v11, v12  }
0x36: {  	v4 =	vld [tilespmem:$0x1380];
	(xrf1) =	vsort.ascd.msk.f32 $0xffff, v13, v14  }
0x37: {  	s14 =	sor.u32 $0x1380, s13;
	v5 =	vld [tilespmem:$0x3380];
	(xrf1) =	vsort.ascd.msk.f32 $0xffff, v15, v16  }
0x38: {  	v6 =	vld [tilespmem:s14+$0x0];
	(xrf1) =	vsort.ascd.msk.f32 $0xffff, v17, v18  }
0x39: {  	v9 =	vld [tilespmem:s14+$0x2000];
	(xrf1) =	vsort.ascd.msk.f32 $0xffff, v19, v20  }
0x3a: {  	v10 =	vld [tilespmem:s11+$0x3300];
	(xrf1) =	vsort.ascd.msk.f32 $0xffff, v21, v22  }
0x3b: {  	v12 =	vld [tilespmem:s11+$0x2200];
	(xrf1) =	vsort.ascd.msk.f32 $0xffff, v23, v24  }
0x3c: {  	v14 =	vld [tilespmem:s11+$0x200];
	(xrf1) =	vsort.ascd.msk.f32 $0xffff, v25, v26  }
0x3d: {  	v16 =	vld [tilespmem:s11+$0x3000];
	(xrf1) =	vsort.ascd.msk.f32 $0xffff, v27, v1  }
0x3e: {  	v23 =	vld [tilespmem:s24+$0x2000];
	v21, v18, _ =	vpop (xrf1);
	(xrf1) =	vsort.ascd.msk.f32 $0xffff, v2, v3  }
0x3f: {  	v3 =	vld [tilespmem:s11+$0x1300];
	v8, v7, _ =	vpop (xrf1);
	(xrf1) =	vsort.ascd.msk.f32 $0xffff, v4, v5  }
0x40: {  	v5, v22, _ =	vpop (xrf1);
	(xrf1) =	vsort.ascd.msk.f32 $0xffff, v6, v9;
	v6 =	vld [tilespmem:s11+$0x1000]  }
0x41: {  	v26 =	vld [tilespmem:s24+$0x0]  }
0x42: {  	v37 =	vld [tilespmem:s11+$0x1100];
	v11, v13, _ =	vpop (xrf1);
	(xrf1) =	vsort.ascd.msk.f32 $0xffff, v14, v12  }
0x43: {  	v4 =	vld [tilespmem:s11+$0x2100];
	v24, v25, _ =	vpop (xrf1)  }
0x44: {  	v17 =	vld [tilespmem:s11+$0x2000];
	v27, v28, _ =	vpop (xrf1);
	(xrf1) =	vsort.ascd.msk.f32 $0xffff, v3, v10  }
0x45: {  	v2, v1, _ =	vpop (xrf1);
	(xrf1) =	vsort.ascd.msk.f32 $0xffff, v6, v16;
	v6 =	vld [tilespmem:s11+$0x280]  }
0x46: {  	v40 =	vld [tilespmem:s11+$0x1080];
	v14, v10, _ =	vpop (xrf1);
	(xrf1) =	vsort.ascd.msk.f32 $0xffff, v26, v23  }
0x47: {  	v41 =	vld [tilespmem:s11+$0x3080];
	v15, v12, _ =	vpop (xrf1)  }
0x48: {  	v44 =	vld [tilespmem:s11+$0x300];
	v9, v16, _ =	vpop (xrf1);
	(xrf1) =	vsort.ascd.msk.f32 $0xffff, v29, v4  }
0x49: {  	s13 =	sor.u32 $0x380, s13;
	v20 =	vld [tilespmem:s11+$0x3100];
	v23, v26, _ =	vpop (xrf1);
	(xrf1) =	vsort.ascd.msk.f32 $0xffff, v30, v17  }
0x4a: {  	v19 =	vld [tilespmem:s13+$0x0];
	v29, v34, _ =	vpop (xrf1);
	(xrf1) =	vsort.ascd.msk.f32 $0xffff, v6, v32  }
0x4b: {  	v30 =	vld [tilespmem:s13+$0x2000];
	v35, v17, _ =	vpop (xrf1)  }
0x4c: {  	v45 =	vld [tilespmem:s12+$0x2000];
	v4, v3, _ =	vpop (xrf1)  }
0x4d: {  	v48 =	vld [tilespmem:s11+$0x2300];
	(xrf1) =	vsort.ascd.msk.f32 $0xffff, v36, v31;
	v38, v39, _ =	vpop (xrf1)  }
0x4e: {  	(xrf1) =	vsort.ascd.msk.f32 $0xffff, v37, v20;
	v6, v32, _ =	vpop (xrf1)  }
0x4f: {  	(xrf1) =	vsort.ascd.msk.f32 $0xffff, v40, v41;
	v42, v43, _ =	vpop (xrf1)  }
0x50: {  	(xrf1) =	vsort.ascd.msk.f32 $0xffff, v19, v30;
	v46, v47, _ =	vpop (xrf1)  }
0x51: {  	v62 =	vperm.xlane v42, v0;
	(xrf1) =	vsort.ascd.msk.f32 $0xffff, v33, v45;
	v46 =	vperm.xlane v46, v0  }
0x52: {  	v53 =	vld [tilespmem:s11+$0x80];
	v63 =	vperm.xlane v43, v0;
	v31 =	vperm.xlane v47, v0;
	(xrf1) =	vsort.ascd.msk.f32 $0xffff, v44, v48;
	v20, v61, _ =	vpop (xrf1)  }
0x53: {  	v54 =	vld [tilespmem:s11+$0x3280];
	vm1 =	vle.f32 v6, v62;
	vm0 =	vle.f32 v24, v46;
	v20 =	vperm.xlane v20, v0;
	v30, v41, _ =	vpop (xrf1)  }
0x54: {  	v6 =	vsel vm1, v6, v62;
	v36 =	vperm.xlane v61, v0;
	v25 =	vsel vm0, v25, v31;
	v31 =	vld [tilespmem:s11+$0x2080];
	v50, v49, _ =	vpop (xrf1)  }
0x55: {  	v19 =	vld [tilespmem:s11+$0x1280];
	v32 =	vsel vm1, v32, v63;
	vm2 =	vle.f32 v38, v20;
	v42 =	vperm.xlane v49, v0  }
0x56: {  	v52, v51, _ =	vpop (xrf1);
	v33 =	vperm.xlane v50, v0;
	v20 =	vsel vm2, v38, v20;
	v36 =	vsel vm2, v39, v36  }
0x57: {  	s25 =	simm.s32 $0x20;
	s11 =	simm.s32 $0x100;
	v56, v55, _ =	vpop (xrf1);
	v37 =	vperm.xlane v52, v0;
	v43 =	vperm.xlane v51, v0;
	(xrf1) =	vsort.ascd.msk.f32 $0xffff, v20, v36  }
0x58: {  	s12 =	sand.u32 $0x70, s25;
	s29 =	sand.u32 $0xC00, s11;
	v20 =	vsel vm0, v24, v46;
	(xrf1) =	vsort.ascd.msk.f32 $0xffff, v6, v32;
	vm0 =	vle.f32 v29, v33;
	v24, v59, _ =	vpop (xrf1)  }
0x59: {  	s26 =	sor.u32 s25, s11;
	s12 =	sor.u32 s12, s29;
	vm1 =	vle.f32 v5, v37;
	(xrf1) =	vsort.ascd.msk.f32 $0xffff, v53, v31;
	v24 =	vperm.xlane v24, v0  }
0x5a: {  	s28 =	sor.u32 $0x1380, s26;
	v40 =	vld [tilespmem:s12+$0x2000];
	v61 =	vsel vm0, v34, v42;
	v60 =	vperm.xlane v59, v0;
	(xrf1) =	vsort.ascd.msk.f32 $0xffff, v19, v54  }
0x5b: {  	s30 =	sand.u32 $0xFFFFFC00, s11;
	v31 =	vld [tilespmem:s28+$0x2000];
	v19 =	vsel vm0, v29, v33;
	(xrf1) =	vsort.ascd.msk.f32 $0xffff, v20, v25;
	v25, v62, _ =	vpop (xrf1);
	vm0 =	vle.f32 v27, v24  }
0x5c: {  	s14 =	sadd.s32 $0x30, s30;
	v6 =	vsel vm1, v22, v43;
	v22 =	vld [tilespmem:s28+$0x0];
	v24 =	vsel vm0, v27, v24;
	v27 =	vsel vm0, v28, v60;
	v28, v32, _ =	vpop (xrf1)  }
0x5d: {  	v63 =	vld [tilespmem:s12+$0x2200];
	s14 =	sadd.s32 $0xFFFFFFF0, s14;
	v28 =	vperm.xlane v28, v0  }
0x5e: {  	v51 =	vld [tilespmem:s12+$0x1000];
	v57 =	vperm.xlane v56, v0;
	v58 =	vperm.xlane v55, v0;
	s31 =	sor.u32 $0x1180, s14;
	v20 =	vsel vm1, v5, v37  }
0x5f: {  	v55 =	vld [tilespmem:s31+$0x2000];
	(xrf1) =	vsort.ascd.msk.f32 $0xffff, v19, v61;
	v19 =	vperm.xlane v32, v0;
	vm0 =	vle.f32 v23, v28  }
0x60: {  	v56 =	vld [tilespmem:s31+$0x0];
	vm1 =	vle.f32 v21, v57;
	v46, v45, _ =	vpop (xrf1);
	(xrf1) =	vsort.ascd.msk.f32 $0xffff, v20, v6;
	v23 =	vsel vm0, v23, v28  }
0x61: {  	s13 =	sor.u32 $0x380, s26;
	v29 =	vld [tilespmem:s12+$0x3300];
	v21 =	vsel vm1, v21, v57;
	v48, v47, _ =	vpop (xrf1);
	(xrf1) =	vsort.ascd.msk.f32 $0xffff, v22, v31;
	v19 =	vsel vm0, v26, v19  }
0x62: {  	v5 =	vld [tilespmem:s13+$0x0];
	v22 =	vsel vm1, v18, v58;
	v32 =	vperm.xlane v48, v0;
	(xrf1) =	vsort.ascd.msk.f32 $0xffff, v24, v27  }
0x63: {  	v41 =	vperm.xlane v41, v0;
	v6 =	vld [tilespmem:s12+$0x3100];
	(xrf1) =	vsort.ascd.msk.f32 $0xffff, v21, v22;
	v22 =	vperm.xlane v47, v0  }
0x64: {  	v25 =	vperm.xlane v25, v0;
	v31 =	vld [tilespmem:s12+$0x3000];
	(xrf1) =	vsort.ascd.msk.f32 $0xffff, v23, v19;
	vm1 =	vle.f32 v14, v32;
	v19, v23, _ =	vpop (xrf1)  }
0x65: {  	v20 =	vperm.xlane v46, v0;
	v26 =	vld [tilespmem:s12+$0x200];
	v49 =	vperm.xlane v19, v0;
	v19 =	vsel vm1, v10, v22  }
0x66: {  	v54 =	vperm.xlane v30, v0;
	v50 =	vperm.xlane v62, v0;
	v24 =	vld [tilespmem:s12+$0x1300]  }
0x67: {  	v18 =	vld [tilespmem:s12+$0x3200];
	vm0 =	vle.f32 v9, v20;
	v28 =	vsel vm1, v14, v32;
	v53, v52, _ =	vpop (xrf1);
	vm1 =	vle.f32 v35, v25  }
0x68: {  	v58 =	vld [tilespmem:s12+$0x0];
	v21 =	vperm.xlane v45, v0;
	v61 =	vsel vm0, v9, v20;
	v14, v10, _ =	vpop (xrf1);
	v30 =	vsel vm1, v35, v25  }
0x69: {  	v27 =	vld [tilespmem:s12+$0x2100];
	(xrf1) =	vsort.ascd.msk.f32 $0xffff, v28, v19;
	v33 =	vsel vm1, v17, v50;
	vm1 =	vle.f32 v15, v54;
	v22, v19, _ =	vpop (xrf1)  }
0x6a: {  	v17 =	vld [tilespmem:s12+$0x100];
	(xrf1) =	vsort.ascd.msk.f32 $0xffff, v26, v63;
	v15 =	vsel vm1, v15, v54;
	v12 =	vsel vm1, v12, v41;
	v25, v57, _ =	vpop (xrf1)  }
0x6b: {  	v32 =	vld [tilespmem:s12+$0x1200];
	(xrf1) =	vsort.ascd.msk.f32 $0xffff, v24, v29;
	v59, v60, _ =	vpop (xrf1);
	v24 =	vperm.xlane v25, v0;
	v36 =	vperm.xlane v57, v0  }
0x6c: {  	v62 =	vperm.xlane v23, v0;
	v28 =	vld [tilespmem:s12+$0x2280];
	v39 =	vperm.xlane v53, v0;
	(xrf1) =	vsort.ascd.msk.f32 $0xffff, v15, v12;
	v20, v26, _ =	vpop (xrf1)  }
0x6d: {  	vm1 =	vle.f32 v11, v49;
	v29 =	vld [tilespmem:s12+$0x280];
	(xrf1) =	vsort.ascd.msk.f32 $0xffff, v51, v31;
	v12, v9, _ =	vpop (xrf1);
	vm2 =	vle.f32 v8, v24  }
0x6e: {  	s14 =	sor.u32 $0x180, s14;
	v37 =	vsel vm1, v11, v49;
	v15 =	vld [tilespmem:s12+$0x1280];
	(xrf1) =	vsort.ascd.msk.f32 $0xffff, v56, v55;
	v11, v23, _ =	vpop (xrf1);
	v8 =	vsel vm2, v8, v24  }
0x6f: {  	v63 =	vsel vm0, v16, v21;
	v31 =	vld [tilespmem:s14+$0x0];
	(xrf1) =	vsort.ascd.msk.f32 $0xffff, v17, v27;
	v7 =	vsel vm2, v7, v36;
	v36, v35, _ =	vpop (xrf1)  }
0x70: {  	v41 =	vperm.xlane v52, v0;
	v25 =	vld [tilespmem:s12+$0x2080];
	v38 =	vperm.xlane v59, v0;
	(xrf1) =	vsort.ascd.msk.f32 $0xffff, v58, v40;
	v17, v16, _ =	vpop (xrf1)  }
0x71: {  	v34 =	vsel vm1, v13, v62;
	vm1 =	vle.f32 v2, v39;
	v27 =	vld [tilespmem:s13+$0x2000];
	v21, v13, _ =	vpop (xrf1);
	(xrf1) =	vsort.ascd.msk.f32 $0xffff, v61, v63  }
0x72: {  	s13 =	simm.s32 $0x30;
	v24 =	vld [tilespmem:s12+$0x3280];
	vm0 =	vle.f32 v4, v38;
	v40 =	vperm.xlane v60, v0;
	(xrf1) =	vsort.ascd.msk.f32 $0xffff, v8, v7;
	v7, v8, _ =	vpop (xrf1)  }
.LBB2_2:
0x73: {  	p0 =	sne.s32 s13, $0x1F0  }
0x74: {  	v42 =	vld [tilespmem:s12+$0x1100];
	s11 =	sadd.s32 $0x80, s11;
	v2 =	vsel vm1, v2, v39;
	v1 =	vsel vm1, v1, v41;
	(xrf1) =	vsort.ascd.msk.f32 $0xffff, v37, v34;
	s15 =	smov.u32 s13;
	s13 =	sadd.s32 $0x10, s13  }
0x75: {  	v4 =	vsel vm0, v4, v38;
	v3 =	vsel vm0, v3, v40;
	v34 =	vld [tilespmem:s12+$0x1080];
	(xrf1) =	vsort.ascd.msk.f32 $0xffff, v29, v28  }
0x76: {  	v37 =	vld [tilespmem:s12+$0x3080];
	(xrf1) =	vsort.ascd.msk.f32 $0xffff, v30, v33  }
0x77: {  	v38 =	vld [tilespmem:s12+$0x300];
	v33, v30, _ =	vpop (xrf1);
	(xrf1) =	vsort.ascd.msk.f32 $0xffff, v4, v3  }
0x78: {  	v3 =	vld [tilespmem:s14+$0x2000];
	v4, v28, _ =	vpop (xrf1);
	(xrf1) =	vsort.ascd.msk.f32 $0xffff, v2, v1  }
0x79: {  	v1 =	vperm.xlane v4, v0;
	v2 =	vld [tilespmem:s12+$0x2300];
	(xrf1) =	vsort.ascd.msk.f32 $0xffff, v32, v18;
	v4, v18, _ =	vpop (xrf1)  }
0x7a: {  	v32 =	vperm.xlane v28, v0;
	(xrf1) =	vsort.ascd.msk.f32 $0xffff, v42, v6;
	v29, v28, _ =	vpop (xrf1);
	v6 =	vperm.xlane v36, v0  }
0x7b: {  	v4 =	vperm.xlane v4, v0;
	vm0 =	vle.f32 v20, v1;
	(xrf1) =	vsort.ascd.msk.f32 $0xffff, v34, v37  }
0x7c: {  	v18 =	vperm.xlane v18, v0;
	v37 =	vperm.xlane v35, v0;
	(xrf1) =	vsort.ascd.msk.f32 $0xffff, v5, v27;
	v35, v36, _ =	vpop (xrf1)  }
0x7d: {  	v5 =	vsel vm0, v26, v32;
	vm1 =	vle.f32 v22, v6;
	(xrf1) =	vsort.ascd.msk.f32 $0xffff, v31, v3;
	v3, v26, _ =	vpop (xrf1)  }
0x7e: {  	vm2 =	vle.f32 v14, v4;
	v6 =	vsel vm1, v22, v6;
	v22, v31, _ =	vpop (xrf1);
	(xrf1) =	vsort.ascd.msk.f32 $0xffff, v38, v2  }
0x7f: {  	v19 =	vsel vm1, v19, v37;
	v10 =	vsel vm2, v10, v18;
	v26 =	vperm.xlane v26, v0;
	v2 =	vld [tilespmem:s12+$0x80];
	v32, v34, _ =	vpop (xrf1)  }
0x80: {  	v37 =	vperm.xlane v3, v0;
	v3 =	vsel vm2, v14, v4;
	v22 =	vperm.xlane v22, v0;
	v38, v27, _ =	vpop (xrf1)  }
0x81: {  	v4 =	vperm.xlane v31, v0;
	v14 =	vperm.xlane v32, v0;
	v32, v31, _ =	vpop (xrf1)  }
0x82: {  	v1 =	vsel vm0, v20, v1;
	s12 =	sand.u32 $0xFFFFFC00, s11;
	v18 =	vperm.xlane v34, v0;
	(xrf1) =	vsort.ascd.msk.f32 $0xffff, v3, v10;
	v39, v34, _ =	vpop (xrf1)  }
0x83: {  	s17 =	sor.u32 s15, s11;
	s14 =	sand.u32 $0xC00, s11;
	s12 =	sadd.s32 s12, s13;
	vm0 =	vle.f32 v11, v22;
	v3, v10, _ =	vpop (xrf1);
	(xrf1) =	vsort.ascd.msk.f32 $0xffff, v6, v19  }
0x84: {  	s15 =	sand.u32 $0x70, s15;
	s18 =	sor.u32 $0x1380, s17;
	s16 =	sadd.s32 $0xFFFFFFF0, s12;
	v6 =	vsel vm0, v23, v4;
	v41 =	vperm.xlane v3, v0;
	(xrf1) =	vsort.ascd.msk.f32 $0xffff, v2, v25;
	v20, v23, _ =	vpop (xrf1)  }
0x85: {  	vm1 =	vle.f32 v12, v37;
	s12 =	sor.u32 s15, s14;
	s14 =	sor.u32 $0x180, s16;
	s16 =	sor.u32 $0x1180, s16;
	v10 =	vperm.xlane v10, v0;
	v25 =	vld [tilespmem:s18+$0x0];
	(xrf1) =	vsort.ascd.msk.f32 $0xffff, v15, v24;
	v4, v3, _ =	vpop (xrf1)  }
0x86: {  	s15 =	sor.u32 $0x380, s17;
	v12 =	vsel vm1, v12, v37;
	v9 =	vsel vm1, v9, v26;
	v15 =	vld [tilespmem:s18+$0x2000];
	(xrf1) =	vsort.ascd.msk.f32 $0xffff, v1, v5;
	v2, v1, _ =	vpop (xrf1)  }
0x87: {  	v11 =	vsel vm0, v11, v22;
	vm0 =	vle.f32 v17, v41;
	v24 =	vld [tilespmem:s12+$0x3300];
	v22, v26, _ =	vpop (xrf1)  }
0x88: {  	vm1 =	vle.f32 v21, v14;
	v17 =	vsel vm0, v17, v41;
	v10 =	vsel vm0, v16, v10;
	v40 =	vld [tilespmem:s12+$0x2000];
	v16, v19, _ =	vpop (xrf1)  }
0x89: {  	v14 =	vsel vm1, v21, v14;
	v5 =	vld [tilespmem:s15+$0x0];
	v19 =	vperm.xlane v19, v0;
	v41, v37, _ =	vpop (xrf1);
	(xrf1) =	vsort.ascd.msk.f32 $0xffff, v12, v9  }
0x8a: {  	v16 =	vperm.xlane v16, v0;
	v9 =	vld [tilespmem:s12+$0x2200];
	v12 =	vperm.xlane v41, v0;
	(xrf1) =	vsort.ascd.msk.f32 $0xffff, v11, v6;
	v11, v21, _ =	vpop (xrf1)  }
0x8b: {  	v13 =	vsel vm1, v13, v18;
	v41 =	vperm.xlane v37, v0;
	v6 =	vld [tilespmem:s12+$0x3100];
	(xrf1) =	vsort.ascd.msk.f32 $0xffff, v25, v15;
	v15, v25, _ =	vpop (xrf1)  }
0x8c: {  	v11 =	vperm.xlane v11, v0;
	vm1 =	vle.f32 v7, v16;
	v37 =	vld [tilespmem:s12+$0x3000];
	(xrf1) =	vsort.ascd.msk.f32 $0xffff, v17, v10;
	v42, v43, _ =	vpop (xrf1)  }
0x8d: {  	v17 =	vperm.xlane v21, v0;
	vm0 =	vle.f32 v38, v12;
	v8 =	vsel vm1, v8, v19;
	v18 =	vld [tilespmem:s12+$0x3200]  }
0x8e: {  	v7 =	vsel vm1, v7, v16;
	vm2 =	vle.f32 v33, v11;
	v21 =	vld [tilespmem:s12+$0x1300];
	(xrf1) =	vsort.ascd.msk.f32 $0xffff, v14, v13  }
0x8f: {  	v46 =	vperm.xlane v22, v0;
	v11 =	vsel vm2, v33, v11;
	v13 =	vld [tilespmem:s12+$0x200];
	(xrf1) =	vsort.ascd.msk.f32 $0xffff, v7, v8  }
0x90: {  	v45 =	vperm.xlane v26, v0;
	v8 =	vperm.xlane v15, v0;
	v7 =	vld [tilespmem:s12+$0x2100];
	v14, v10, _ =	vpop (xrf1)  }
0x91: {  	v48 =	vperm.xlane v35, v0;
	vm1 =	vle.f32 v20, v46;
	v17 =	vsel vm2, v30, v17;
	v44 =	vld [tilespmem:s12+$0x1000];
	v22, v19, _ =	vpop (xrf1)  }
0x92: {  	v36 =	vperm.xlane v36, v0;
	v30 =	vsel vm1, v20, v46;
	v33 =	vsel vm1, v23, v45;
	v35 =	vld [tilespmem:s16+$0x2000];
	v15, v16, _ =	vpop (xrf1)  }
0x93: {  	vm1 =	vle.f32 v29, v48;
	v45 =	vld [tilespmem:s16+$0x0];
	(xrf1) =	vsort.ascd.msk.f32 $0xffff, v11, v17;
	v46, v47, _ =	vpop (xrf1)  }
0x94: {  	v23 =	vsel vm1, v29, v48;
	v11 =	vsel vm1, v28, v36;
	v17 =	vld [tilespmem:s12+$0x100];
	(xrf1) =	vsort.ascd.msk.f32 $0xffff, v13, v9;
	v20, v26, _ =	vpop (xrf1)  }
0x95: {  	v13 =	vld [tilespmem:s12+$0x0];
	(xrf1) =	vsort.ascd.msk.f32 $0xffff, v21, v24  }
0x96: {  	v48 =	vsel vm0, v38, v12;
	v21 =	vperm.xlane v15, v0;
	v28 =	vld [tilespmem:s12+$0x2280];
	(xrf1) =	vsort.ascd.msk.f32 $0xffff, v23, v11  }
0x97: {  	v38 =	vperm.xlane v16, v0;
	vm1 =	vle.f32 v39, v8;
	v24 =	vperm.xlane v25, v0;
	v29 =	vld [tilespmem:s12+$0x280];
	v12, v9, _ =	vpop (xrf1)  }
0x98: {  	vm2 =	vle.f32 v32, v21;
	v15 =	vld [tilespmem:s12+$0x1280];
	(xrf1) =	vsort.ascd.msk.f32 $0xffff, v44, v37;
	v37 =	vsel vm1, v39, v8;
	v11, v23, _ =	vpop (xrf1)  }
.Ltmp0:
0x99: {  	v8 =	vsel vm2, v32, v21;
	v44 =	vsel vm2, v31, v38;
	v25 =	vld [tilespmem:s12+$0x2080];
	(xrf1) =	vsort.ascd.msk.f32 $0xffff, v45, v35;
	v36, v35, _ =	vpop (xrf1);
	(pc) =	sbr.rel @p0 .LBB2_2-.Ltmp0, $4  }
0x9a: {  	v34 =	vsel vm1, v34, v24;
	v31 =	vld [tilespmem:s14+$0x0];
	(xrf1) =	vsort.ascd.msk.f32 $0xffff, v17, v7;
	v7 =	vsel vm0, v27, v41;
	v17, v16, _ =	vpop (xrf1)  }
0x9b: {  	v39 =	vperm.xlane v42, v0;
	v38 =	vperm.xlane v46, v0;
	v24 =	vld [tilespmem:s12+$0x3280];
	(xrf1) =	vsort.ascd.msk.f32 $0xffff, v13, v40  }
0x9c: {  	v41 =	vperm.xlane v43, v0;
	v40 =	vperm.xlane v47, v0;
	v27 =	vld [tilespmem:s15+$0x2000];
	v21, v13, _ =	vpop (xrf1);
	(xrf1) =	vsort.ascd.msk.f32 $0xffff, v48, v7  }
0x9d: {  	vm1 =	vle.f32 v2, v39;
	vm0 =	vle.f32 v4, v38;
	v32 =	vld [tilespmem:s12+$0x1200];
	(xrf1) =	vsort.ascd.msk.f32 $0xffff, v8, v44;
	v7, v8, _ =	vpop (xrf1)  }
0x9e: {  	v42 =	vld [tilespmem:s12+$0x1100];
	(xrf1) =	vsort.ascd.msk.f32 $0xffff, v37, v34  }
0x9f: {  	v52 =	vld [tilespmem:s12+$0x1080];
	v4 =	vsel vm0, v4, v38;
	(xrf1) =	vsort.ascd.msk.f32 $0xffff, v29, v28  }
0xa0: {  	v3 =	vsel vm0, v3, v40;
	v53 =	vld [tilespmem:s12+$0x3080];
	v2 =	vsel vm1, v2, v39;
	(xrf1) =	vsort.ascd.msk.f32 $0xffff, v30, v33  }
0xa1: {  	v1 =	vsel vm1, v1, v41;
	v55 =	vld [tilespmem:s12+$0x2300];
	(xrf1) =	vsort.ascd.msk.f32 $0xffff, v4, v3  }
0xa2: {  	v4, v29, _ =	vpop (xrf1);
	(xrf1) =	vsort.ascd.msk.f32 $0xffff, v2, v1;
	v1 =	vld [tilespmem:s14+$0x2000]  }
0xa3: {  	v3 =	vld [tilespmem:s12+$0x300];
	v2, v54, _ =	vpop (xrf1);
	(xrf1) =	vsort.ascd.msk.f32 $0xffff, v32, v18  }
0xa4: {  	v59 =	vperm.xlane v36, v0;
	v57, v56, _ =	vpop (xrf1);
	(xrf1) =	vsort.ascd.msk.f32 $0xffff, v42, v6  }
0xa5: {  	v60 =	vperm.xlane v35, v0;
	v30, v37, _ =	vpop (xrf1);
	v32 =	vperm.xlane v57, v0;
	(xrf1) =	vsort.ascd.msk.f32 $0xffff, v52, v53  }
0xa6: {  	v2 =	vperm.xlane v2, v0;
	v33 =	vperm.xlane v56, v0;
	(xrf1) =	vsort.ascd.msk.f32 $0xffff, v5, v27;
	v5, v27, _ =	vpop (xrf1)  }
0xa7: {  	v63 =	vld [tilespmem:s12+$0x80];
	v58 =	vperm.xlane v54, v0;
	vm12 =	vle.f32 v14, v32;
	v62, v61, _ =	vpop (xrf1);
	(xrf1) =	vsort.ascd.msk.f32 $0xffff, v31, v1  }
0xa8: {  	v14 =	vsel vm12, v14, v32;
	v10 =	vsel vm12, v10, v33;
	v1, v31, _ =	vpop (xrf1);
	(xrf1) =	vsort.ascd.msk.f32 $0xffff, v3, v55  }
0xa9: {  	vm11 =	vle.f32 v22, v59;
	vm13 =	vle.f32 v20, v2;
	v3, v18, _ =	vpop (xrf1);
	(xrf1) =	vsort.ascd.msk.f32 $0xffff, v14, v10  }
0xaa: {  	v22 =	vsel vm11, v22, v59;
	v19 =	vsel vm11, v19, v60;
	v6 =	vsel vm13, v26, v58;
	v40, v32, _ =	vpop (xrf1)  }
0xab: {  	v27 =	vperm.xlane v27, v0;
	v41 =	vperm.xlane v61, v0;
	(xrf1) =	vsort.ascd.msk.f32 $0xffff, v22, v19;
	v43, v42, _ =	vpop (xrf1)  }
0xac: {  	v44 =	vperm.xlane v62, v0;
	v1 =	vperm.xlane v1, v0;
	v46, v45, _ =	vpop (xrf1);
	(xrf1) =	vsort.ascd.msk.f32 $0xffff, v63, v25  }
0xad: {  	v2 =	vsel vm13, v20, v2;
	v47 =	vperm.xlane v31, v0;
	v3 =	vperm.xlane v3, v0;
	v48, v49, _ =	vpop (xrf1)  }
0xae: {  	v18 =	vperm.xlane v18, v0;
	vm15 =	vle.f32 v12, v44;
	vm14 =	vle.f32 v11, v1;
	v51, v50, _ =	vpop (xrf1)  }
0xaf: {  	v12 =	vsel vm15, v12, v44;
	v9 =	vsel vm15, v9, v41;
	v52 =	vperm.xlane v48, v0;
	v26, v36, _ =	vpop (xrf1)  }
0xb0: {  	v23 =	vsel vm14, v23, v47;
	(xrf1) =	vsort.ascd.msk.f32 $0xffff, v15, v24;
	v31 =	vperm.xlane v49, v0;
	v15, v19, _ =	vpop (xrf1)  }
0xb1: {  	v1 =	vsel vm14, v11, v1;
	(xrf1) =	vsort.ascd.msk.f32 $0xffff, v2, v6;
	vm4 =	vle.f32 v17, v52;
	v2, v6, _ =	vpop (xrf1)  }
0xb2: {  	vm5 =	vle.f32 v21, v3;
	v16 =	vsel vm4, v16, v31;
	(xrf1) =	vsort.ascd.msk.f32 $0xffff, v12, v9;
	v54, v55, _ =	vpop (xrf1)  }
0xb3: {  	v3 =	vsel vm5, v21, v3;
	v53 =	vsel vm4, v17, v52;
	(xrf1) =	vsort.ascd.msk.f32 $0xffff, v1, v23;
	v57, v56, _ =	vpop (xrf1)  }
0xb4: {  	v1 =	vsel vm5, v13, v18;
	v17 =	vperm.xlane v55, v0;
	v11 =	vperm.xlane v54, v0;
	v59, v60, _ =	vpop (xrf1)  }
0xb5: {  	(xrf1) =	vsort.ascd.msk.f32 $0xffff, v53, v16;
	v58 =	vperm.xlane v57, v0;
	v61 =	vperm.xlane v56, v0;
	v63, v62, _ =	vpop (xrf1)  }
0xb6: {  	(xrf1) =	vsort.ascd.msk.f32 $0xffff, v3, v1;
	v12 =	vperm.xlane v59, v0;
	vm6 =	vle.f32 v7, v11;
	v10, v16, _ =	vpop (xrf1)  }
0xb7: {  	v21 =	vperm.xlane v60, v0;
	v8 =	vsel vm6, v8, v17;
	v7 =	vsel vm6, v7, v11;
	v1, v3, _ =	vpop (xrf1)  }
0xb8: {  	vm8 =	vle.f32 v40, v58;
	vm7 =	vle.f32 v4, v12;
	v1 =	vperm.xlane v5, v0  }
0xb9: {  	(xrf1) =	vsort.ascd.msk.f32 $0xffff, v7, v8;
	v4 =	vsel vm7, v4, v12;
	v24, v25, _ =	vpop (xrf1);
	v5 =	vsel vm7, v29, v21  }
0xba: {  	v40 =	vsel vm8, v40, v58;
	(xrf1) =	vsort.ascd.msk.f32 $0xffff, v4, v5;
	v29, v31, _ =	vpop (xrf1);
	vm9 =	vle.f32 v30, v1  }
0xbb: {  	v1 =	vsel vm9, v30, v1;
	v38 =	vperm.xlane v29, v0;
	v39 =	vsel vm9, v37, v27  }
0xbc: {  	v41 =	vperm.xlane v31, v0;
	(xrf1) =	vsort.ascd.msk.f32 $0xffff, v1, v39;
	v1 =	vsel vm8, v32, v61  }
0xbd: {  	vm10 =	vle.f32 v43, v38;
	(xrf1) =	vsort.ascd.msk.f32 $0xffff, v40, v1;
	v1 =	vperm.xlane v63, v0  }
0xbe: {  	v4 =	vsel vm10, v43, v38;
	v43 =	vperm.xlane v62, v0  }
0xbf: {  	v42 =	vsel vm10, v42, v41;
	vm11 =	vle.f32 v46, v1  }
0xc0: {  	(xrf1) =	vsort.ascd.msk.f32 $0xffff, v4, v42;
	v4 =	vsel vm11, v45, v43  }
0xc1: {  	v2 =	vperm.xlane v2, v0;
	v1 =	vsel vm11, v46, v1  }
0xc2: {  	v44 =	vperm.xlane v6, v0  }
0xc3: {  	vm12 =	vle.f32 v51, v2;
	v46, v45, _ =	vpop (xrf1)  }
0xc4: {  	v5 =	vsel vm12, v50, v44;
	(xrf1) =	vsort.ascd.msk.f32 $0xffff, v1, v4;
	v1, v4, _ =	vpop (xrf1)  }
0xc5: {  	v2 =	vsel vm12, v51, v2;
	v6 =	vperm.xlane v46, v0;
	v47, v48, _ =	vpop (xrf1)  }
0xc6: {  	v8 =	vperm.xlane v45, v0;
	v1 =	vperm.xlane v10, v0;
	v50, v49, _ =	vpop (xrf1)  }
0xc7: {  	v9 =	vperm.xlane v16, v0;
	vm14 =	vle.f32 v26, v6;
	v51, v52, _ =	vpop (xrf1)  }
0xc8: {  	v8 =	vsel vm14, v36, v8;
	(xrf1) =	vsort.ascd.msk.f32 $0xffff, v2, v5;
	vm13 =	vle.f32 v15, v1;
	v2, v5, _ =	vpop (xrf1)  }
0xc9: {  	v6 =	vsel vm14, v26, v6;
	v2 =	vsel vm13, v19, v9  }
0xca: {  	v1 =	vsel vm13, v15, v1;
	_ =	sdelay $0x1  }
0xcb: {  	(xrf1) =	vsort.ascd.msk.f32 $0xffff, v6, v8;
	v6, v8, _ =	vpop (xrf1)  }
0xcc: {  	(xrf1) =	vsort.ascd.msk.f32 $0xffff, v1, v2;
	v1, v2, _ =	vpop (xrf1)  }
0xcd: {  	v1, v6, _ =	vpop (xrf1)  }
0xce: {  	vm15 =	vmmov $0x3ff;
	v1, v53, _ =	vpop (xrf1)  }
0xcf: {  	v1 =	vnsel vm15, $0x0, v5  }
0xd0: {  	v54, v12, _ =	vpop (xrf1);
	v1 =	vadd.f32 $0.0e+00, v1  }
0xd1: {  	v5 =	vnsel vm15, $0x0, v12  }
0xd2: {  	v1 =	vadd.f32 v5, v1  }
0xd3: {  	v55 =	vnsel vm15, $0x0, v49  }
0xd4: {  	v57, v56, _ =	vpop (xrf1);
	v1 =	vadd.f32 v55, v1  }
0xd5: {  	v58 =	vnsel vm15, $0x0, v56  }
0xd6: {  	v1 =	vadd.f32 v58, v1  }
0xd7: {  	v4 =	vnsel vm15, $0x0, v4  }
0xd8: {  	v59, v11, _ =	vpop (xrf1);
	v1 =	vadd.f32 v4, v1  }
0xd9: {  	v60, v5, _ =	vpop (xrf1);
	v4 =	vnsel vm15, $0x0, v52  }
0xda: {  	v61, v62, _ =	vpop (xrf1);
	v1 =	vadd.f32 v4, v1  }
0xdb: {  	v63 =	vnsel vm15, $0x0, v62  }
0xdc: {  	v1 =	vadd.f32 v63, v1  }
0xdd: {  	v2 =	vnsel vm15, $0x0, v2  }
0xde: {  	v1 =	vadd.f32 v2, v1  }
0xdf: {  	v2 =	vnsel vm15, $0x0, v6  }
0xe0: {  	v1 =	vadd.f32 v2, v1  }
0xe1: {  	v2 =	vnsel vm15, $0x0, v53  }
0xe2: {  	v1 =	vadd.f32 v2, v1  }
0xe3: {  	v2 =	vnsel vm15, $0x0, v8  }
0xe4: {  	v1 =	vadd.f32 v2, v1  }
0xe5: {  	v2 =	vnsel vm15, $0x0, v48  }
0xe6: {  	v1 =	vadd.f32 v2, v1  }
0xe7: {  	v2 =	vnsel vm15, $0x0, v11  }
0xe8: {  	v1 =	vadd.f32 v2, v1  }
0xe9: {  	v2 =	vnsel vm15, $0x0, v5  }
0xea: {  	v1 =	vadd.f32 v2, v1  }
0xeb: {  	v2 =	vnsel vm15, $0x0, v3  }
0xec: {  	v1 =	vadd.f32 v2, v1  }
0xed: {  	v2 =	vnsel vm15, $0x0, v25  }
0xee: {  	s10 =	sadd.s32 $0x1, s10;
	v1 =	vadd.f32 v2, v1  }
0xef: {  	p0 =	sne.s32 s10, s6  }
.Ltmp1:
0xf0: {  	[tilespmem:$0x4000] =	vst v1;
	(pc) =	sbr.rel @p0 .LBB2_1-.Ltmp1, $4  }
0xf1: {  	[hbm4b:s5+s2] =	stream.linear.scatter [tilespmem:s9], [sflag:$0x1], $0x80, $0x38;
	[tilespmem:$0x4080] =	vst v63  }
0xf2: {  	_ =	swait.ge [sflag:s7], $0x80  }
0xf3: {  	[sflag:s7] =	ssyncset.done $0x0  }
0xf4: {  	[sflag:s7] =	ssyncadd.s32 $0xFFFFFF80  }
0xf5: {  	_ =	sfence.sel $0x180000  }
0xf6: {  	[bflag:$0x0] =	sbarrier.arrive $0xFFFF  }
0xf7: {  	p0 =	sne.s32 s1, $0x0;
	_ =	strace $0x90000047  }
0xf8: {  	s0 =	sadd.s32 @!p0 $0x100000, s0;
	[bflag:$0x2] =	sbarrier.arrive $0xFFFF  }
0xf9: {  	[sflag:s0] =	ssyncadd.tile.s32 @!p0 $0x1;
	_ =	shalt  }
.Lfunc_end2:
_tile_overlayer_lowered:
.L_overlay_start_2:
0xfa: {  	(tag) =	ssettag $0x2  }
0xfb: {  	s0 =	rddreg [dreg:$0x0];
	s2 =	stileid.u32  }
0xfc: {  	s1 =	rddreg [dreg:$0x1];
	p0 =	sne.s32 s2, $0x0  }
0xfd: {  	s3 =	rddreg [dreg:$0x2];
	[bflag:$0x3] =	sbarrier.arrive $0xFFFF;
	s2 =	simm.s32 @!p0 $0x1C01  }
0xfe: {  	[timem:s3], [sflag:s2] =	dma.local @!p0 [hbm:s0], s1  }
0xff: {  	s0 =	simm.s32 @!p0 $0x1  }
0x100: {  	_ =	swait.ge @!p0 [sflag:s0], s1  }
0x101: {  	s1 =	ssub.s32 @!p0 $0x0, s1;
	[sflag:s0] =	ssyncset.done @!p0 $0x0  }
0x102: {  	[sflag:s0] =	ssyncadd.s32 @!p0 s1  }
0x103: {  	[bflag:$0x3] =	sbarrier.arrive $0xFFFF  }
0x104: {  	_ =	shalt  }

</sc_bundles>
